<compile_context>
chip_gen: v7x
topology: tpu7x:2x2x1
jax: 0.10.2.dev20260603
libtpu: 0.0.44.dev20260713+nightly
codegen_flags: <defaults>
</compile_context>

<pallas_src>
import functools

import jax
import jax.numpy as jnp
from jax import lax
from jax.experimental import pallas as pl
from jax.experimental.pallas import tpu as pltpu
from jax.experimental.pallas import tpu_sc as plsc

_NW = 32
_NP = 4


def _scale_kernel(sp_ref, w_ref, scale_ref):
    xf = jax.lax.dot_general(
        sp_ref[...], w_ref[...],
        dimension_numbers=(((1,), (1,)), ((), ())),
        preferred_element_type=jnp.float32,
    )
    scale_ref[...] = 1.0 + jax.nn.sigmoid(xf)


def _make_sc_mul(n, hw, c):
    mesh = plsc.VectorSubcoreMesh(core_axis_name="c", subcore_axis_name="s")

    @functools.partial(
        pl.kernel,
        mesh=mesh,
        out_type=jax.ShapeDtypeStruct((n, hw, c), jnp.float32),
        scratch_types=[
            pltpu.VMEM((_NP, c), jnp.float32),
            pltpu.VMEM((2, _NP, c), jnp.float32),
            pltpu.VMEM((2, _NP, c), jnp.float32),
            pltpu.SemaphoreType.DMA((2,)),
            pltpu.SemaphoreType.DMA((2,)),
        ],
    )
    def sc_mul(scale_hbm, x_hbm, out_hbm, scale_v, xb, ob, in_sems, out_sems):
        cc = lax.axis_index("c")
        ss = lax.axis_index("s")
        wid = ss * 2 + cc
        p0 = wid * _NP

        pltpu.make_async_copy(
            scale_hbm.at[pl.ds(p0, _NP)], scale_v, in_sems.at[0]
        ).start()
        pltpu.make_async_copy(
            scale_hbm.at[pl.ds(p0, _NP)], scale_v, in_sems.at[0]
        ).wait()

        def in_copy(b, slot):
            return pltpu.make_async_copy(
                x_hbm.at[b, pl.ds(p0, _NP)], xb.at[slot], in_sems.at[slot]
            )

        def out_copy(b, slot):
            return pltpu.make_async_copy(
                ob.at[slot], out_hbm.at[b, pl.ds(p0, _NP)], out_sems.at[slot]
            )

        in_copy(0, 0).start()
        in_copy(1, 1).start()

        def body(g, carry):
            for sl in range(2):
                b = 2 * g + sl
                in_copy(b, sl).wait()

                @pl.when(b >= 2)
                def _():
                    out_copy(b - 2, sl).wait()

                def inner(i, carry2):
                    for r in range(_NP):
                        ob[sl, r, pl.ds(i * 16, 16)] = (
                            xb[sl, r, pl.ds(i * 16, 16)]
                            * scale_v[r, pl.ds(i * 16, 16)]
                        )
                    return carry2

                lax.fori_loop(0, c // 16, inner, 0, unroll=4)
                out_copy(b, sl).start()

                @pl.when(b + 2 < n)
                def _():
                    in_copy(b + 2, sl).start()
            return carry

        lax.fori_loop(0, n // 2, body, 0)
        out_copy(n - 2, 0).wait()
        out_copy(n - 1, 1).wait()

    return sc_mul


def kernel(inputs, labels, cpct_r_w, conv_w, similar_prototype):
    n, c, h, w = inputs.shape
    hw = h * w
    x = inputs.transpose(0, 2, 3, 1).reshape(n, hw, c)
    sp = similar_prototype.transpose(1, 2, 0).reshape(hw, c)

    scale = pl.pallas_call(
        _scale_kernel,
        out_shape=jax.ShapeDtypeStruct((hw, c), jnp.float32),
    )(sp, conv_w)

    out = _make_sc_mul(n, hw, c)(scale, x)
    return out.reshape(n, h, w, c).transpose(0, 3, 1, 2)

# --- scband reference (transcript-rebuilt; emitter-appended) ---
"""Pipeline reference for scband-aol-v-3676492005801 (READ-ONLY COPY).

The authoritative reference and input builder live on the scoring server;
editing this copy changes nothing except your own understanding.
"""

import jax, jax.numpy as jnp
import numpy as np


def conv1x1(x, w):
    # x: [N, Cin, H, W], w: [Cout, Cin] (1x1 conv, no bias)
    return jnp.einsum('nchw,oc->nohw', x, w)


def pairwise_distance(x, y):
    m, n = x.shape[0], y.shape[0]
    xf = x.reshape(m, -1)
    yf = y.reshape(n, -1)
    dist = (jnp.sum(xf ** 2, axis=1, keepdims=True)
            + jnp.sum(yf ** 2, axis=1, keepdims=True).T
            - 2.0 * xf @ yf.T)
    return dist


def setup_inputs(seed: int = 0) -> dict:
    key = jax.random.key(seed)
    k1, k2, k3, k4, k5 = jax.random.split(key, 5)
    n, dim, h, w = 64, 2048, 16, 8
    cp_dim = dim // 8
    inputs = jax.random.normal(k1, (n, dim, h, w), dtype=jnp.float32)
    labels = jax.random.randint(k2, (n,), 0, 16, dtype=jnp.int64 if jax.config.jax_enable_x64 else jnp.int32)
    # kaiming_normal_ fan_out for 1x1 conv: std = sqrt(2 / out_channels)
    cpct_r_w = jax.random.normal(k3, (cp_dim, dim), dtype=jnp.float32) * np.sqrt(2.0 / cp_dim)
    conv_w = jax.random.normal(k4, (dim, dim), dtype=jnp.float32) * np.sqrt(2.0 / dim)
    # similar_prototype: kaiming_normal_ on [dim, h, w]
    similar_prototype = jax.random.normal(k5, (dim, h, w), dtype=jnp.float32) * np.sqrt(2.0 / (h * w))
    return {
        'inputs': inputs,
        'labels': labels,
        'cpct_r_w': cpct_r_w,
        'conv_w': conv_w,
        'similar_prototype': similar_prototype,
    }


def reference(inputs, labels, cpct_r_w, conv_w, similar_prototype):
    # Faithful eval-mode forward of AOL_v
    n, c, h, w = inputs.shape
    # feat_cp computed in both branches (unused in eval, but kept for fidelity)
    feat_cp = conv1x1(inputs, cpct_r_w)
    # dist is detached in the original (.detach().cpu().numpy())
    dist = jax.lax.stop_gradient(pairwise_distance(inputs, inputs))
    indices = jnp.argsort(dist, axis=1)  # computed but only consumed in training branch
    _ = (feat_cp, indices, labels)
    # eval branch: use similar_prototype
    s_cpct_list = similar_prototype[None, :, :, :]  # [1, dim, h, w]
    x_f = jax.nn.sigmoid(conv1x1(s_cpct_list, conv_w))
    feats = inputs + inputs * x_f
    return feats

if __name__ == "__main__":
    import jax
    _d = setup_inputs()
    print(jax.jit(kernel)(*tuple(_d.values())))

</pallas_src>

<mosaic_0001>
#map = affine_map<(d0, d1) -> (0, 0)>
#map1 = affine_map<(d0, d1) -> (0, 0, 0)>
module attributes {stable_mosaic.version = 14 : i64} {
  func.func @sc_mul(%arg0: i32, %arg1: i32, %arg2: memref<128x2048xf32, #tpu.memory_space<hbm>>, %arg3: memref<64x128x2048xf32, #tpu.memory_space<hbm>>, %arg4: memref<64x128x2048xf32, #tpu.memory_space<hbm>>, %arg5: memref<4x2048xf32, #tpu.memory_space<vmem>>, %arg6: memref<2x4x2048xf32, #tpu.memory_space<vmem>>, %arg7: memref<2x4x2048xf32, #tpu.memory_space<vmem>>, %arg8: memref<2x!tpu.dma_semaphore, #tpu.memory_space<semaphore_mem>>, %arg9: memref<2x!tpu.dma_semaphore, #tpu.memory_space<semaphore_mem>>) attributes {dimension_semantics = [#tpu.dimension_semantics<core_parallel>, #tpu.dimension_semantics<subcore_parallel>], iteration_bounds = array<i64: 2, 16>, scalar_prefetch = 0 : i64, scratch_operands = 5 : i64, tpu.core_type = #tpu.core_type<sc_vector_subcore>, window_params = [{transform_indices = #map}, {transform_indices = #map1}, {transform_indices = #map1}]} {
    %mul3A = arith.constant 2 : i32
    %mul3A_0 = arith.muli %arg1, %mul3A : i32
    %add3A = arith.addi %mul3A_0, %arg0 : i32
    %mul3A_1 = arith.constant 4 : i32
    %mul3A_2 = arith.muli %add3A, %mul3A_1 : i32
    %dma_start3A = arith.constant 0 : i32
    %dma_start3A_3 = arith.constant 0 : i32
    %dma_start3A_4 = tpu.memref_slice %arg2[%mul3A_2, %dma_start3A_3] : memref<128x2048xf32, #tpu.memory_space<hbm>> -> memref<4x2048xf32, #tpu.memory_space<hbm>>
    %dma_start3A_5 = tpu.memref_slice %arg8[%dma_start3A] : memref<2x!tpu.dma_semaphore, #tpu.memory_space<semaphore_mem>> -> memref<1x!tpu.dma_semaphore, #tpu.memory_space<semaphore_mem>>
    %dma_start3A_6 = tpu.memref_squeeze %dma_start3A_5 : memref<1x!tpu.dma_semaphore, #tpu.memory_space<semaphore_mem>> -> memref<!tpu.dma_semaphore, #tpu.memory_space<semaphore_mem>>
    %dma_start3A_7 = arith.constant 0 : i32
    %dma_start3A_8 = tpu.memref_slice %arg2[%mul3A_2, %dma_start3A_7] : memref<128x2048xf32, #tpu.memory_space<hbm>> -> memref<4x2048xf32, #tpu.memory_space<hbm>>
    tpu.enqueue_dma source(%dma_start3A_8 : memref<4x2048xf32, #tpu.memory_space<hbm>>) target(%arg5 : memref<4x2048xf32, #tpu.memory_space<vmem>>) target_semaphore(%dma_start3A_6 : memref<!tpu.dma_semaphore, #tpu.memory_space<semaphore_mem>>)
    %dma_wait3A = arith.constant 0 : i32
    %dma_wait3A_9 = arith.constant 0 : i32
    %dma_wait3A_10 = tpu.memref_slice %arg2[%mul3A_2, %dma_wait3A_9] : memref<128x2048xf32, #tpu.memory_space<hbm>> -> memref<4x2048xf32, #tpu.memory_space<hbm>>
    %dma_wait3A_11 = tpu.memref_slice %arg8[%dma_wait3A] : memref<2x!tpu.dma_semaphore, #tpu.memory_space<semaphore_mem>> -> memref<1x!tpu.dma_semaphore, #tpu.memory_space<semaphore_mem>>
    %dma_wait3A_12 = tpu.memref_squeeze %dma_wait3A_11 : memref<1x!tpu.dma_semaphore, #tpu.memory_space<semaphore_mem>> -> memref<!tpu.dma_semaphore, #tpu.memory_space<semaphore_mem>>
    %dma_wait3A_13 = arith.constant 0 : i32
    %dma_wait3A_14 = tpu.memref_slice %arg2[%mul3A_2, %dma_wait3A_13] : memref<128x2048xf32, #tpu.memory_space<hbm>> -> memref<4x2048xf32, #tpu.memory_space<hbm>>
    tpu.wait_dma2 semaphore(%dma_wait3A_12 : memref<!tpu.dma_semaphore, #tpu.memory_space<semaphore_mem>>) src(%dma_wait3A_14 : memref<4x2048xf32, #tpu.memory_space<hbm>>) dst(%arg5 : memref<4x2048xf32, #tpu.memory_space<vmem>>)
    %dma_start3A_15 = arith.constant 0 : i32
    %dma_start3A_16 = arith.constant 0 : i32
    %dma_start3A_17 = arith.constant 0 : i32
    %dma_start3A_18 = arith.constant 0 : i32
    %dma_start3A_19 = arith.constant 0 : i32
    %dma_start3A_20 = tpu.memref_slice %arg6[%dma_start3A_16, %dma_start3A_18, %dma_start3A_19] : memref<2x4x2048xf32, #tpu.memory_space<vmem>> -> memref<1x4x2048xf32, #tpu.memory_space<vmem>>
    %dma_start3A_21 = tpu.memref_squeeze %dma_start3A_20 : memref<1x4x2048xf32, #tpu.memory_space<vmem>> -> memref<4x2048xf32, #tpu.memory_space<vmem>>
    %dma_start3A_22 = arith.constant 0 : i32
    %dma_start3A_23 = tpu.memref_slice %arg3[%dma_start3A_15, %mul3A_2, %dma_start3A_22] : memref<64x128x2048xf32, #tpu.memory_space<hbm>> -> memref<1x4x2048xf32, #tpu.memory_space<hbm>>
    %dma_start3A_24 = tpu.memref_squeeze %dma_start3A_23 : memref<1x4x2048xf32, #tpu.memory_space<hbm>> -> memref<4x2048xf32, #tpu.memory_space<hbm>>
    %dma_start3A_25 = tpu.memref_slice %arg8[%dma_start3A_17] : memref<2x!tpu.dma_semaphore, #tpu.memory_space<semaphore_mem>> -> memref<1x!tpu.dma_semaphore, #tpu.memory_space<semaphore_mem>>
    %dma_start3A_26 = tpu.memref_squeeze %dma_start3A_25 : memref<1x!tpu.dma_semaphore, #tpu.memory_space<semaphore_mem>> -> memref<!tpu.dma_semaphore, #tpu.memory_space<semaphore_mem>>
    %dma_start3A_27 = arith.constant 0 : i32
    %dma_start3A_28 = arith.constant 0 : i32
    %dma_start3A_29 = tpu.memref_slice %arg6[%dma_start3A_16, %dma_start3A_27, %dma_start3A_28] : memref<2x4x2048xf32, #tpu.memory_space<vmem>> -> memref<1x4x2048xf32, #tpu.memory_space<vmem>>
    %dma_start3A_30 = tpu.memref_squeeze %dma_start3A_29 : memref<1x4x2048xf32, #tpu.memory_space<vmem>> -> memref<4x2048xf32, #tpu.memory_space<vmem>>
    %dma_start3A_31 = arith.constant 0 : i32
    %dma_start3A_32 = tpu.memref_slice %arg3[%dma_start3A_15, %mul3A_2, %dma_start3A_31] : memref<64x128x2048xf32, #tpu.memory_space<hbm>> -> memref<1x4x2048xf32, #tpu.memory_space<hbm>>
    %dma_start3A_33 = tpu.memref_squeeze %dma_start3A_32 : memref<1x4x2048xf32, #tpu.memory_space<hbm>> -> memref<4x2048xf32, #tpu.memory_space<hbm>>
    tpu.enqueue_dma source(%dma_start3A_33 : memref<4x2048xf32, #tpu.memory_space<hbm>>) target(%dma_start3A_30 : memref<4x2048xf32, #tpu.memory_space<vmem>>) target_semaphore(%dma_start3A_26 : memref<!tpu.dma_semaphore, #tpu.memory_space<semaphore_mem>>)
    %dma_start3A_34 = arith.constant 1 : i32
    %dma_start3A_35 = arith.constant 1 : i32
    %dma_start3A_36 = arith.constant 1 : i32
    %dma_start3A_37 = arith.constant 0 : i32
    %dma_start3A_38 = arith.constant 0 : i32
    %dma_start3A_39 = tpu.memref_slice %arg6[%dma_start3A_35, %dma_start3A_37, %dma_start3A_38] : memref<2x4x2048xf32, #tpu.memory_space<vmem>> -> memref<1x4x2048xf32, #tpu.memory_space<vmem>>
    %dma_start3A_40 = tpu.memref_squeeze %dma_start3A_39 : memref<1x4x2048xf32, #tpu.memory_space<vmem>> -> memref<4x2048xf32, #tpu.memory_space<vmem>>
    %dma_start3A_41 = arith.constant 0 : i32
    %dma_start3A_42 = tpu.memref_slice %arg3[%dma_start3A_34, %mul3A_2, %dma_start3A_41] : memref<64x128x2048xf32, #tpu.memory_space<hbm>> -> memref<1x4x2048xf32, #tpu.memory_space<hbm>>
    %dma_start3A_43 = tpu.memref_squeeze %dma_start3A_42 : memref<1x4x2048xf32, #tpu.memory_space<hbm>> -> memref<4x2048xf32, #tpu.memory_space<hbm>>
    %dma_start3A_44 = tpu.memref_slice %arg8[%dma_start3A_36] : memref<2x!tpu.dma_semaphore, #tpu.memory_space<semaphore_mem>> -> memref<1x!tpu.dma_semaphore, #tpu.memory_space<semaphore_mem>>
    %dma_start3A_45 = tpu.memref_squeeze %dma_start3A_44 : memref<1x!tpu.dma_semaphore, #tpu.memory_space<semaphore_mem>> -> memref<!tpu.dma_semaphore, #tpu.memory_space<semaphore_mem>>
    %dma_start3A_46 = arith.constant 0 : i32
    %dma_start3A_47 = arith.constant 0 : i32
    %dma_start3A_48 = tpu.memref_slice %arg6[%dma_start3A_35, %dma_start3A_46, %dma_start3A_47] : memref<2x4x2048xf32, #tpu.memory_space<vmem>> -> memref<1x4x2048xf32, #tpu.memory_space<vmem>>
    %dma_start3A_49 = tpu.memref_squeeze %dma_start3A_48 : memref<1x4x2048xf32, #tpu.memory_space<vmem>> -> memref<4x2048xf32, #tpu.memory_space<vmem>>
    %dma_start3A_50 = arith.constant 0 : i32
    %dma_start3A_51 = tpu.memref_slice %arg3[%dma_start3A_34, %mul3A_2, %dma_start3A_50] : memref<64x128x2048xf32, #tpu.memory_space<hbm>> -> memref<1x4x2048xf32, #tpu.memory_space<hbm>>
    %dma_start3A_52 = tpu.memref_squeeze %dma_start3A_51 : memref<1x4x2048xf32, #tpu.memory_space<hbm>> -> memref<4x2048xf32, #tpu.memory_space<hbm>>
    tpu.enqueue_dma source(%dma_start3A_52 : memref<4x2048xf32, #tpu.memory_space<hbm>>) target(%dma_start3A_49 : memref<4x2048xf32, #tpu.memory_space<vmem>>) target_semaphore(%dma_start3A_45 : memref<!tpu.dma_semaphore, #tpu.memory_space<semaphore_mem>>)
    %scan3A = arith.constant 0 : i32
    %scan3A_53 = arith.constant 0 : i32
    %scan3A_54 = arith.constant 32 : i32
    %scan3A_55 = arith.addi %scan3A_53, %scan3A_54 : i32
    %scan3A_56 = arith.constant 1 : i32
    scf.for %scan3A_96 = %scan3A_53 to %scan3A_55 step %scan3A_56  : i32 {
      %mul3A_97 = arith.constant 2 : i32
      %mul3A_98 = arith.muli %mul3A_97, %scan3A_96 : i32
      %add3A_99 = arith.constant 0 : i32
      %add3A_100 = arith.addi %mul3A_98, %add3A_99 : i32
      %dma_wait3A_101 = arith.constant 0 : i32
      %dma_wait3A_102 = arith.constant 0 : i32
      %dma_wait3A_103 = arith.constant 0 : i32
      %dma_wait3A_104 = arith.constant 0 : i32
      %dma_wait3A_105 = tpu.memref_slice %arg6[%dma_wait3A_101, %dma_wait3A_103, %dma_wait3A_104] : memref<2x4x2048xf32, #tpu.memory_space<vmem>> -> memref<1x4x2048xf32, #tpu.memory_space<vmem>>
      %dma_wait3A_106 = tpu.memref_squeeze %dma_wait3A_105 : memref<1x4x2048xf32, #tpu.memory_space<vmem>> -> memref<4x2048xf32, #tpu.memory_space<vmem>>
      %dma_wait3A_107 = arith.constant 0 : i32
      %dma_wait3A_108 = tpu.memref_slice %arg3[%add3A_100, %mul3A_2, %dma_wait3A_107] : memref<64x128x2048xf32, #tpu.memory_space<hbm>> -> memref<1x4x2048xf32, #tpu.memory_space<hbm>>
      %dma_wait3A_109 = tpu.memref_squeeze %dma_wait3A_108 : memref<1x4x2048xf32, #tpu.memory_space<hbm>> -> memref<4x2048xf32, #tpu.memory_space<hbm>>
      %dma_wait3A_110 = tpu.memref_slice %arg8[%dma_wait3A_102] : memref<2x!tpu.dma_semaphore, #tpu.memory_space<semaphore_mem>> -> memref<1x!tpu.dma_semaphore, #tpu.memory_space<semaphore_mem>>
      %dma_wait3A_111 = tpu.memref_squeeze %dma_wait3A_110 : memref<1x!tpu.dma_semaphore, #tpu.memory_space<semaphore_mem>> -> memref<!tpu.dma_semaphore, #tpu.memory_space<semaphore_mem>>
      %dma_wait3A_112 = arith.constant 0 : i32
      %dma_wait3A_113 = arith.constant 0 : i32
      %dma_wait3A_114 = tpu.memref_slice %arg6[%dma_wait3A_101, %dma_wait3A_112, %dma_wait3A_113] : memref<2x4x2048xf32, #tpu.memory_space<vmem>> -> memref<1x4x2048xf32, #tpu.memory_space<vmem>>
      %dma_wait3A_115 = tpu.memref_squeeze %dma_wait3A_114 : memref<1x4x2048xf32, #tpu.memory_space<vmem>> -> memref<4x2048xf32, #tpu.memory_space<vmem>>
      %dma_wait3A_116 = arith.constant 0 : i32
      %dma_wait3A_117 = tpu.memref_slice %arg3[%add3A_100, %mul3A_2, %dma_wait3A_116] : memref<64x128x2048xf32, #tpu.memory_space<hbm>> -> memref<1x4x2048xf32, #tpu.memory_space<hbm>>
      %dma_wait3A_118 = tpu.memref_squeeze %dma_wait3A_117 : memref<1x4x2048xf32, #tpu.memory_space<hbm>> -> memref<4x2048xf32, #tpu.memory_space<hbm>>
      tpu.wait_dma2 semaphore(%dma_wait3A_111 : memref<!tpu.dma_semaphore, #tpu.memory_space<semaphore_mem>>) src(%dma_wait3A_118 : memref<4x2048xf32, #tpu.memory_space<hbm>>) dst(%dma_wait3A_115 : memref<4x2048xf32, #tpu.memory_space<vmem>>)
      %ge3A = arith.constant 2 : i32
      %ge3A_119 = arith.cmpi sge, %add3A_100, %ge3A : i32
      %convert_element_type3A = arith.extui %ge3A_119 : i1 to i32
      %cond3A = arith.constant 0 : i32
      %cond3A_120 = arith.cmpi ne, %convert_element_type3A, %cond3A : i32
      scf.if %cond3A_120 {
        %sub3A = arith.constant 2 : i32
        %sub3A_209 = arith.subi %add3A_100, %sub3A : i32
        %dma_wait3A_210 = arith.constant 0 : i32
        %dma_wait3A_211 = arith.constant 0 : i32
        %dma_wait3A_212 = arith.constant 0 : i32
        %dma_wait3A_213 = arith.constant 0 : i32
        %dma_wait3A_214 = tpu.memref_slice %arg7[%dma_wait3A_210, %dma_wait3A_212, %dma_wait3A_213] : memref<2x4x2048xf32, #tpu.memory_space<vmem>> -> memref<1x4x2048xf32, #tpu.memory_space<vmem>>
        %dma_wait3A_215 = tpu.memref_squeeze %dma_wait3A_214 : memref<1x4x2048xf32, #tpu.memory_space<vmem>> -> memref<4x2048xf32, #tpu.memory_space<vmem>>
        %dma_wait3A_216 = arith.constant 0 : i32
        %dma_wait3A_217 = tpu.memref_slice %arg4[%sub3A_209, %mul3A_2, %dma_wait3A_216] : memref<64x128x2048xf32, #tpu.memory_space<hbm>> -> memref<1x4x2048xf32, #tpu.memory_space<hbm>>
        %dma_wait3A_218 = tpu.memref_squeeze %dma_wait3A_217 : memref<1x4x2048xf32, #tpu.memory_space<hbm>> -> memref<4x2048xf32, #tpu.memory_space<hbm>>
        %dma_wait3A_219 = tpu.memref_slice %arg9[%dma_wait3A_211] : memref<2x!tpu.dma_semaphore, #tpu.memory_space<semaphore_mem>> -> memref<1x!tpu.dma_semaphore, #tpu.memory_space<semaphore_mem>>
        %dma_wait3A_220 = tpu.memref_squeeze %dma_wait3A_219 : memref<1x!tpu.dma_semaphore, #tpu.memory_space<semaphore_mem>> -> memref<!tpu.dma_semaphore, #tpu.memory_space<semaphore_mem>>
        %dma_wait3A_221 = arith.constant 0 : i32
        %dma_wait3A_222 = tpu.memref_slice %arg4[%sub3A_209, %mul3A_2, %dma_wait3A_221] : memref<64x128x2048xf32, #tpu.memory_space<hbm>> -> memref<1x4x2048xf32, #tpu.memory_space<hbm>>
        %dma_wait3A_223 = tpu.memref_squeeze %dma_wait3A_222 : memref<1x4x2048xf32, #tpu.memory_space<hbm>> -> memref<4x2048xf32, #tpu.memory_space<hbm>>
        %dma_wait3A_224 = arith.constant 0 : i32
        %dma_wait3A_225 = arith.constant 0 : i32
        %dma_wait3A_226 = tpu.memref_slice %arg7[%dma_wait3A_210, %dma_wait3A_224, %dma_wait3A_225] : memref<2x4x2048xf32, #tpu.memory_space<vmem>> -> memref<1x4x2048xf32, #tpu.memory_space<vmem>>
        %dma_wait3A_227 = tpu.memref_squeeze %dma_wait3A_226 : memref<1x4x2048xf32, #tpu.memory_space<vmem>> -> memref<4x2048xf32, #tpu.memory_space<vmem>>
        tpu.wait_dma2 semaphore(%dma_wait3A_220 : memref<!tpu.dma_semaphore, #tpu.memory_space<semaphore_mem>>) src(%dma_wait3A_227 : memref<4x2048xf32, #tpu.memory_space<vmem>>) dst(%dma_wait3A_223 : memref<4x2048xf32, #tpu.memory_space<hbm>>)
      } else {
      }
      %scan3A_121 = arith.constant 0 : i32
      %scan3A_122 = arith.constant 0 : i32
      %scan3A_123 = arith.constant 128 : i32
      %scan3A_124 = arith.addi %scan3A_122, %scan3A_123 : i32
      %scan3A_125 = arith.constant 4 : i32
      scf.for %scan3A_209 = %scan3A_122 to %scan3A_124 step %scan3A_125  : i32 {
        %mul3A_210 = arith.constant 16 : i32
        %mul3A_211 = arith.muli %scan3A_209, %mul3A_210 : i32
        %get3A = arith.constant 0 : i32
        %get3A_212 = arith.constant 0 : i32
        %get3A_213 = arith.index_cast %get3A : i32 to index
        %get3A_214 = arith.index_cast %get3A_212 : i32 to index
        %get3A_215 = arith.index_cast %mul3A_211 : i32 to index
        %get3A_216 = tpu.vector_load %arg6[%get3A_213, %get3A_214, %get3A_215] {strides = array<i32>} : memref<2x4x2048xf32, #tpu.memory_space<vmem>>, vector<1x1x16xf32>,
        %get3A_217 = vector.shape_cast %get3A_216 : vector<1x1x16xf32> to vector<16xf32>
        %mul3A_218 = arith.constant 16 : i32
        %mul3A_219 = arith.muli %scan3A_209, %mul3A_218 : i32
        %get3A_220 = arith.constant 0 : i32
        %get3A_221 = arith.index_cast %get3A_220 : i32 to index
        %get3A_222 = arith.index_cast %mul3A_219 : i32 to index
        %get3A_223 = tpu.vector_load %arg5[%get3A_221, %get3A_222] {strides = array<i32>} : memref<4x2048xf32, #tpu.memory_space<vmem>>, vector<1x16xf32>,
        %get3A_224 = vector.shape_cast %get3A_223 : vector<1x16xf32> to vector<16xf32>
        %mul3A_225 = arith.mulf %get3A_217, %get3A_224 : vector<16xf32>
        %mul3A_226 = arith.constant 16 : i32
        %mul3A_227 = arith.muli %scan3A_209, %mul3A_226 : i32
        %swap3A = arith.constant 0 : i32
        %swap3A_228 = arith.constant 0 : i32
        %swap3A_229 = arith.index_cast %swap3A : i32 to index
        %swap3A_230 = arith.index_cast %swap3A_228 : i32 to index
        %swap3A_231 = arith.index_cast %mul3A_227 : i32 to index
        %swap3A_232 = tpu.vector_load %arg7[%swap3A_229, %swap3A_230, %swap3A_231] {strides = array<i32>} : memref<2x4x2048xf32, #tpu.memory_space<vmem>>, vector<1x1x16xf32>,
        %swap3A_233 = vector.shape_cast %swap3A_232 : vector<1x1x16xf32> to vector<16xf32>
        %swap3A_234 = vector.shape_cast %mul3A_225 : vector<16xf32> to vector<1x1x16xf32>
        tpu.vector_store %arg7[%swap3A_229, %swap3A_230, %swap3A_231], %swap3A_234 {strides = array<i32>} : memref<2x4x2048xf32, #tpu.memory_space<vmem>>, vector<1x1x16xf32>,
        %mul3A_235 = arith.constant 16 : i32
        %mul3A_236 = arith.muli %scan3A_209, %mul3A_235 : i32
        %get3A_237 = arith.constant 0 : i32
        %get3A_238 = arith.constant 1 : i32
        %get3A_239 = arith.index_cast %get3A_237 : i32 to index
        %get3A_240 = arith.index_cast %get3A_238 : i32 to index
        %get3A_241 = arith.index_cast %mul3A_236 : i32 to index
        %get3A_242 = tpu.vector_load %arg6[%get3A_239, %get3A_240, %get3A_241] {strides = array<i32>} : memref<2x4x2048xf32, #tpu.memory_space<vmem>>, vector<1x1x16xf32>,
        %get3A_243 = vector.shape_cast %get3A_242 : vector<1x1x16xf32> to vector<16xf32>
        %mul3A_244 = arith.constant 16 : i32
        %mul3A_245 = arith.muli %scan3A_209, %mul3A_244 : i32
        %get3A_246 = arith.constant 1 : i32
        %get3A_247 = arith.index_cast %get3A_246 : i32 to index
        %get3A_248 = arith.index_cast %mul3A_245 : i32 to index
        %get3A_249 = tpu.vector_load %arg5[%get3A_247, %get3A_248] {strides = array<i32>} : memref<4x2048xf32, #tpu.memory_space<vmem>>, vector<1x16xf32>,
        %get3A_250 = vector.shape_cast %get3A_249 : vector<1x16xf32> to vector<16xf32>
        %mul3A_251 = arith.mulf %get3A_243, %get3A_250 : vector<16xf32>
        %mul3A_252 = arith.constant 16 : i32
        %mul3A_253 = arith.muli %scan3A_209, %mul3A_252 : i32
        %swap3A_254 = arith.constant 0 : i32
        %swap3A_255 = arith.constant 1 : i32
        %swap3A_256 = arith.index_cast %swap3A_254 : i32 to index
        %swap3A_257 = arith.index_cast %swap3A_255 : i32 to index
        %swap3A_258 = arith.index_cast %mul3A_253 : i32 to index
        %swap3A_259 = tpu.vector_load %arg7[%swap3A_256, %swap3A_257, %swap3A_258] {strides = array<i32>} : memref<2x4x2048xf32, #tpu.memory_space<vmem>>, vector<1x1x16xf32>,
        %swap3A_260 = vector.shape_cast %swap3A_259 : vector<1x1x16xf32> to vector<16xf32>
        %swap3A_261 = vector.shape_cast %mul3A_251 : vector<16xf32> to vector<1x1x16xf32>
        tpu.vector_store %arg7[%swap3A_256, %swap3A_257, %swap3A_258], %swap3A_261 {strides = array<i32>} : memref<2x4x2048xf32, #tpu.memory_space<vmem>>, vector<1x1x16xf32>,
        %mul3A_262 = arith.constant 16 : i32
        %mul3A_263 = arith.muli %scan3A_209, %mul3A_262 : i32
        %get3A_264 = arith.constant 0 : i32
        %get3A_265 = arith.constant 2 : i32
        %get3A_266 = arith.index_cast %get3A_264 : i32 to index
        %get3A_267 = arith.index_cast %get3A_265 : i32 to index
        %get3A_268 = arith.index_cast %mul3A_263 : i32 to index
        %get3A_269 = tpu.vector_load %arg6[%get3A_266, %get3A_267, %get3A_268] {strides = array<i32>} : memref<2x4x2048xf32, #tpu.memory_space<vmem>>, vector<1x1x16xf32>,
        %get3A_270 = vector.shape_cast %get3A_269 : vector<1x1x16xf32> to vector<16xf32>
        %mul3A_271 = arith.constant 16 : i32
        %mul3A_272 = arith.muli %scan3A_209, %mul3A_271 : i32
        %get3A_273 = arith.constant 2 : i32
        %get3A_274 = arith.index_cast %get3A_273 : i32 to index
        %get3A_275 = arith.index_cast %mul3A_272 : i32 to index
        %get3A_276 = tpu.vector_load %arg5[%get3A_274, %get3A_275] {strides = array<i32>} : memref<4x2048xf32, #tpu.memory_space<vmem>>, vector<1x16xf32>,
        %get3A_277 = vector.shape_cast %get3A_276 : vector<1x16xf32> to vector<16xf32>
        %mul3A_278 = arith.mulf %get3A_270, %get3A_277 : vector<16xf32>
        %mul3A_279 = arith.constant 16 : i32
        %mul3A_280 = arith.muli %scan3A_209, %mul3A_279 : i32
        %swap3A_281 = arith.constant 0 : i32
        %swap3A_282 = arith.constant 2 : i32
        %swap3A_283 = arith.index_cast %swap3A_281 : i32 to index
        %swap3A_284 = arith.index_cast %swap3A_282 : i32 to index
        %swap3A_285 = arith.index_cast %mul3A_280 : i32 to index
        %swap3A_286 = tpu.vector_load %arg7[%swap3A_283, %swap3A_284, %swap3A_285] {strides = array<i32>} : memref<2x4x2048xf32, #tpu.memory_space<vmem>>, vector<1x1x16xf32>,
        %swap3A_287 = vector.shape_cast %swap3A_286 : vector<1x1x16xf32> to vector<16xf32>
        %swap3A_288 = vector.shape_cast %mul3A_278 : vector<16xf32> to vector<1x1x16xf32>
        tpu.vector_store %arg7[%swap3A_283, %swap3A_284, %swap3A_285], %swap3A_288 {strides = array<i32>} : memref<2x4x2048xf32, #tpu.memory_space<vmem>>, vector<1x1x16xf32>,
        %mul3A_289 = arith.constant 16 : i32
        %mul3A_290 = arith.muli %scan3A_209, %mul3A_289 : i32
        %get3A_291 = arith.constant 0 : i32
        %get3A_292 = arith.constant 3 : i32
        %get3A_293 = arith.index_cast %get3A_291 : i32 to index
        %get3A_294 = arith.index_cast %get3A_292 : i32 to index
        %get3A_295 = arith.index_cast %mul3A_290 : i32 to index
        %get3A_296 = tpu.vector_load %arg6[%get3A_293, %get3A_294, %get3A_295] {strides = array<i32>} : memref<2x4x2048xf32, #tpu.memory_space<vmem>>, vector<1x1x16xf32>,
        %get3A_297 = vector.shape_cast %get3A_296 : vector<1x1x16xf32> to vector<16xf32>
        %mul3A_298 = arith.constant 16 : i32
        %mul3A_299 = arith.muli %scan3A_209, %mul3A_298 : i32
        %get3A_300 = arith.constant 3 : i32
        %get3A_301 = arith.index_cast %get3A_300 : i32 to index
        %get3A_302 = arith.index_cast %mul3A_299 : i32 to index
        %get3A_303 = tpu.vector_load %arg5[%get3A_301, %get3A_302] {strides = array<i32>} : memref<4x2048xf32, #tpu.memory_space<vmem>>, vector<1x16xf32>,
        %get3A_304 = vector.shape_cast %get3A_303 : vector<1x16xf32> to vector<16xf32>
        %mul3A_305 = arith.mulf %get3A_297, %get3A_304 : vector<16xf32>
        %mul3A_306 = arith.constant 16 : i32
        %mul3A_307 = arith.muli %scan3A_209, %mul3A_306 : i32
        %swap3A_308 = arith.constant 0 : i32
        %swap3A_309 = arith.constant 3 : i32
        %swap3A_310 = arith.index_cast %swap3A_308 : i32 to index
        %swap3A_311 = arith.index_cast %swap3A_309 : i32 to index
        %swap3A_312 = arith.index_cast %mul3A_307 : i32 to index
        %swap3A_313 = tpu.vector_load %arg7[%swap3A_310, %swap3A_311, %swap3A_312] {strides = array<i32>} : memref<2x4x2048xf32, #tpu.memory_space<vmem>>, vector<1x1x16xf32>,
        %swap3A_314 = vector.shape_cast %swap3A_313 : vector<1x1x16xf32> to vector<16xf32>
        %swap3A_315 = vector.shape_cast %mul3A_305 : vector<16xf32> to vector<1x1x16xf32>
        tpu.vector_store %arg7[%swap3A_310, %swap3A_311, %swap3A_312], %swap3A_315 {strides = array<i32>} : memref<2x4x2048xf32, #tpu.memory_space<vmem>>, vector<1x1x16xf32>,
        %scan3A_316 = arith.constant 1 : i32
        %scan3A_317 = arith.addi %scan3A_209, %scan3A_316 : i32
        %mul3A_318 = arith.constant 16 : i32
        %mul3A_319 = arith.muli %scan3A_317, %mul3A_318 : i32
        %get3A_320 = arith.constant 0 : i32
        %get3A_321 = arith.constant 0 : i32
        %get3A_322 = arith.index_cast %get3A_320 : i32 to index
        %get3A_323 = arith.index_cast %get3A_321 : i32 to index
        %get3A_324 = arith.index_cast %mul3A_319 : i32 to index
        %get3A_325 = tpu.vector_load %arg6[%get3A_322, %get3A_323, %get3A_324] {strides = array<i32>} : memref<2x4x2048xf32, #tpu.memory_space<vmem>>, vector<1x1x16xf32>,
        %get3A_326 = vector.shape_cast %get3A_325 : vector<1x1x16xf32> to vector<16xf32>
        %mul3A_327 = arith.constant 16 : i32
        %mul3A_328 = arith.muli %scan3A_317, %mul3A_327 : i32
        %get3A_329 = arith.constant 0 : i32
        %get3A_330 = arith.index_cast %get3A_329 : i32 to index
        %get3A_331 = arith.index_cast %mul3A_328 : i32 to index
        %get3A_332 = tpu.vector_load %arg5[%get3A_330, %get3A_331] {strides = array<i32>} : memref<4x2048xf32, #tpu.memory_space<vmem>>, vector<1x16xf32>,
        %get3A_333 = vector.shape_cast %get3A_332 : vector<1x16xf32> to vector<16xf32>
        %mul3A_334 = arith.mulf %get3A_326, %get3A_333 : vector<16xf32>
        %mul3A_335 = arith.constant 16 : i32
        %mul3A_336 = arith.muli %scan3A_317, %mul3A_335 : i32
        %swap3A_337 = arith.constant 0 : i32
        %swap3A_338 = arith.constant 0 : i32
        %swap3A_339 = arith.index_cast %swap3A_337 : i32 to index
        %swap3A_340 = arith.index_cast %swap3A_338 : i32 to index
        %swap3A_341 = arith.index_cast %mul3A_336 : i32 to index
        %swap3A_342 = tpu.vector_load %arg7[%swap3A_339, %swap3A_340, %swap3A_341] {strides = array<i32>} : memref<2x4x2048xf32, #tpu.memory_space<vmem>>, vector<1x1x16xf32>,
        %swap3A_343 = vector.shape_cast %swap3A_342 : vector<1x1x16xf32> to vector<16xf32>
        %swap3A_344 = vector.shape_cast %mul3A_334 : vector<16xf32> to vector<1x1x16xf32>
        tpu.vector_store %arg7[%swap3A_339, %swap3A_340, %swap3A_341], %swap3A_344 {strides = array<i32>} : memref<2x4x2048xf32, #tpu.memory_space<vmem>>, vector<1x1x16xf32>,
        %mul3A_345 = arith.constant 16 : i32
        %mul3A_346 = arith.muli %scan3A_317, %mul3A_345 : i32
        %get3A_347 = arith.constant 0 : i32
        %get3A_348 = arith.constant 1 : i32
        %get3A_349 = arith.index_cast %get3A_347 : i32 to index
        %get3A_350 = arith.index_cast %get3A_348 : i32 to index
        %get3A_351 = arith.index_cast %mul3A_346 : i32 to index
        %get3A_352 = tpu.vector_load %arg6[%get3A_349, %get3A_350, %get3A_351] {strides = array<i32>} : memref<2x4x2048xf32, #tpu.memory_space<vmem>>, vector<1x1x16xf32>,
        %get3A_353 = vector.shape_cast %get3A_352 : vector<1x1x16xf32> to vector<16xf32>
        %mul3A_354 = arith.constant 16 : i32
        %mul3A_355 = arith.muli %scan3A_317, %mul3A_354 : i32
        %get3A_356 = arith.constant 1 : i32
        %get3A_357 = arith.index_cast %get3A_356 : i32 to index
        %get3A_358 = arith.index_cast %mul3A_355 : i32 to index
        %get3A_359 = tpu.vector_load %arg5[%get3A_357, %get3A_358] {strides = array<i32>} : memref<4x2048xf32, #tpu.memory_space<vmem>>, vector<1x16xf32>,
        %get3A_360 = vector.shape_cast %get3A_359 : vector<1x16xf32> to vector<16xf32>
        %mul3A_361 = arith.mulf %get3A_353, %get3A_360 : vector<16xf32>
        %mul3A_362 = arith.constant 16 : i32
        %mul3A_363 = arith.muli %scan3A_317, %mul3A_362 : i32
        %swap3A_364 = arith.constant 0 : i32
        %swap3A_365 = arith.constant 1 : i32
        %swap3A_366 = arith.index_cast %swap3A_364 : i32 to index
        %swap3A_367 = arith.index_cast %swap3A_365 : i32 to index
        %swap3A_368 = arith.index_cast %mul3A_363 : i32 to index
        %swap3A_369 = tpu.vector_load %arg7[%swap3A_366, %swap3A_367, %swap3A_368] {strides = array<i32>} : memref<2x4x2048xf32, #tpu.memory_space<vmem>>, vector<1x1x16xf32>,
        %swap3A_370 = vector.shape_cast %swap3A_369 : vector<1x1x16xf32> to vector<16xf32>
        %swap3A_371 = vector.shape_cast %mul3A_361 : vector<16xf32> to vector<1x1x16xf32>
        tpu.vector_store %arg7[%swap3A_366, %swap3A_367, %swap3A_368], %swap3A_371 {strides = array<i32>} : memref<2x4x2048xf32, #tpu.memory_space<vmem>>, vector<1x1x16xf32>,
        %mul3A_372 = arith.constant 16 : i32
        %mul3A_373 = arith.muli %scan3A_317, %mul3A_372 : i32
        %get3A_374 = arith.constant 0 : i32
        %get3A_375 = arith.constant 2 : i32
        %get3A_376 = arith.index_cast %get3A_374 : i32 to index
        %get3A_377 = arith.index_cast %get3A_375 : i32 to index
        %get3A_378 = arith.index_cast %mul3A_373 : i32 to index
        %get3A_379 = tpu.vector_load %arg6[%get3A_376, %get3A_377, %get3A_378] {strides = array<i32>} : memref<2x4x2048xf32, #tpu.memory_space<vmem>>, vector<1x1x16xf32>,
        %get3A_380 = vector.shape_cast %get3A_379 : vector<1x1x16xf32> to vector<16xf32>
        %mul3A_381 = arith.constant 16 : i32
        %mul3A_382 = arith.muli %scan3A_317, %mul3A_381 : i32
        %get3A_383 = arith.constant 2 : i32
        %get3A_384 = arith.index_cast %get3A_383 : i32 to index
        %get3A_385 = arith.index_cast %mul3A_382 : i32 to index
        %get3A_386 = tpu.vector_load %arg5[%get3A_384, %get3A_385] {strides = array<i32>} : memref<4x2048xf32, #tpu.memory_space<vmem>>, vector<1x16xf32>,
        %get3A_387 = vector.shape_cast %get3A_386 : vector<1x16xf32> to vector<16xf32>
        %mul3A_388 = arith.mulf %get3A_380, %get3A_387 : vector<16xf32>
        %mul3A_389 = arith.constant 16 : i32
        %mul3A_390 = arith.muli %scan3A_317, %mul3A_389 : i32
        %swap3A_391 = arith.constant 0 : i32
        %swap3A_392 = arith.constant 2 : i32
        %swap3A_393 = arith.index_cast %swap3A_391 : i32 to index
        %swap3A_394 = arith.index_cast %swap3A_392 : i32 to index
        %swap3A_395 = arith.index_cast %mul3A_390 : i32 to index
        %swap3A_396 = tpu.vector_load %arg7[%swap3A_393, %swap3A_394, %swap3A_395] {strides = array<i32>} : memref<2x4x2048xf32, #tpu.memory_space<vmem>>, vector<1x1x16xf32>,
        %swap3A_397 = vector.shape_cast %swap3A_396 : vector<1x1x16xf32> to vector<16xf32>
        %swap3A_398 = vector.shape_cast %mul3A_388 : vector<16xf32> to vector<1x1x16xf32>
        tpu.vector_store %arg7[%swap3A_393, %swap3A_394, %swap3A_395], %swap3A_398 {strides = array<i32>} : memref<2x4x2048xf32, #tpu.memory_space<vmem>>, vector<1x1x16xf32>,
        %mul3A_399 = arith.constant 16 : i32
        %mul3A_400 = arith.muli %scan3A_317, %mul3A_399 : i32
        %get3A_401 = arith.constant 0 : i32
        %get3A_402 = arith.constant 3 : i32
        %get3A_403 = arith.index_cast %get3A_401 : i32 to index
        %get3A_404 = arith.index_cast %get3A_402 : i32 to index
        %get3A_405 = arith.index_cast %mul3A_400 : i32 to index
        %get3A_406 = tpu.vector_load %arg6[%get3A_403, %get3A_404, %get3A_405] {strides = array<i32>} : memref<2x4x2048xf32, #tpu.memory_space<vmem>>, vector<1x1x16xf32>,
        %get3A_407 = vector.shape_cast %get3A_406 : vector<1x1x16xf32> to vector<16xf32>
        %mul3A_408 = arith.constant 16 : i32
        %mul3A_409 = arith.muli %scan3A_317, %mul3A_408 : i32
        %get3A_410 = arith.constant 3 : i32
        %get3A_411 = arith.index_cast %get3A_410 : i32 to index
        %get3A_412 = arith.index_cast %mul3A_409 : i32 to index
        %get3A_413 = tpu.vector_load %arg5[%get3A_411, %get3A_412] {strides = array<i32>} : memref<4x2048xf32, #tpu.memory_space<vmem>>, vector<1x16xf32>,
        %get3A_414 = vector.shape_cast %get3A_413 : vector<1x16xf32> to vector<16xf32>
        %mul3A_415 = arith.mulf %get3A_407, %get3A_414 : vector<16xf32>
        %mul3A_416 = arith.constant 16 : i32
        %mul3A_417 = arith.muli %scan3A_317, %mul3A_416 : i32
        %swap3A_418 = arith.constant 0 : i32
        %swap3A_419 = arith.constant 3 : i32
        %swap3A_420 = arith.index_cast %swap3A_418 : i32 to index
        %swap3A_421 = arith.index_cast %swap3A_419 : i32 to index
        %swap3A_422 = arith.index_cast %mul3A_417 : i32 to index
        %swap3A_423 = tpu.vector_load %arg7[%swap3A_420, %swap3A_421, %swap3A_422] {strides = array<i32>} : memref<2x4x2048xf32, #tpu.memory_space<vmem>>, vector<1x1x16xf32>,
        %swap3A_424 = vector.shape_cast %swap3A_423 : vector<1x1x16xf32> to vector<16xf32>
        %swap3A_425 = vector.shape_cast %mul3A_415 : vector<16xf32> to vector<1x1x16xf32>
        tpu.vector_store %arg7[%swap3A_420, %swap3A_421, %swap3A_422], %swap3A_425 {strides = array<i32>} : memref<2x4x2048xf32, #tpu.memory_space<vmem>>, vector<1x1x16xf32>,
        %scan3A_426 = arith.constant 2 : i32
        %scan3A_427 = arith.addi %scan3A_209, %scan3A_426 : i32
        %mul3A_428 = arith.constant 16 : i32
        %mul3A_429 = arith.muli %scan3A_427, %mul3A_428 : i32
        %get3A_430 = arith.constant 0 : i32
        %get3A_431 = arith.constant 0 : i32
        %get3A_432 = arith.index_cast %get3A_430 : i32 to index
        %get3A_433 = arith.index_cast %get3A_431 : i32 to index
        %get3A_434 = arith.index_cast %mul3A_429 : i32 to index
        %get3A_435 = tpu.vector_load %arg6[%get3A_432, %get3A_433, %get3A_434] {strides = array<i32>} : memref<2x4x2048xf32, #tpu.memory_space<vmem>>, vector<1x1x16xf32>,
        %get3A_436 = vector.shape_cast %get3A_435 : vector<1x1x16xf32> to vector<16xf32>
        %mul3A_437 = arith.constant 16 : i32
        %mul3A_438 = arith.muli %scan3A_427, %mul3A_437 : i32
        %get3A_439 = arith.constant 0 : i32
        %get3A_440 = arith.index_cast %get3A_439 : i32 to index
        %get3A_441 = arith.index_cast %mul3A_438 : i32 to index
        %get3A_442 = tpu.vector_load %arg5[%get3A_440, %get3A_441] {strides = array<i32>} : memref<4x2048xf32, #tpu.memory_space<vmem>>, vector<1x16xf32>,
        %get3A_443 = vector.shape_cast %get3A_442 : vector<1x16xf32> to vector<16xf32>
        %mul3A_444 = arith.mulf %get3A_436, %get3A_443 : vector<16xf32>
        %mul3A_445 = arith.constant 16 : i32
        %mul3A_446 = arith.muli %scan3A_427, %mul3A_445 : i32
        %swap3A_447 = arith.constant 0 : i32
        %swap3A_448 = arith.constant 0 : i32
        %swap3A_449 = arith.index_cast %swap3A_447 : i32 to index
        %swap3A_450 = arith.index_cast %swap3A_448 : i32 to index
        %swap3A_451 = arith.index_cast %mul3A_446 : i32 to index
        %swap3A_452 = tpu.vector_load %arg7[%swap3A_449, %swap3A_450, %swap3A_451] {strides = array<i32>} : memref<2x4x2048xf32, #tpu.memory_space<vmem>>, vector<1x1x16xf32>,
        %swap3A_453 = vector.shape_cast %swap3A_452 : vector<1x1x16xf32> to vector<16xf32>
        %swap3A_454 = vector.shape_cast %mul3A_444 : vector<16xf32> to vector<1x1x16xf32>
        tpu.vector_store %arg7[%swap3A_449, %swap3A_450, %swap3A_451], %swap3A_454 {strides = array<i32>} : memref<2x4x2048xf32, #tpu.memory_space<vmem>>, vector<1x1x16xf32>,
        %mul3A_455 = arith.constant 16 : i32
        %mul3A_456 = arith.muli %scan3A_427, %mul3A_455 : i32
        %get3A_457 = arith.constant 0 : i32
        %get3A_458 = arith.constant 1 : i32
        %get3A_459 = arith.index_cast %get3A_457 : i32 to index
        %get3A_460 = arith.index_cast %get3A_458 : i32 to index
        %get3A_461 = arith.index_cast %mul3A_456 : i32 to index
        %get3A_462 = tpu.vector_load %arg6[%get3A_459, %get3A_460, %get3A_461] {strides = array<i32>} : memref<2x4x2048xf32, #tpu.memory_space<vmem>>, vector<1x1x16xf32>,
        %get3A_463 = vector.shape_cast %get3A_462 : vector<1x1x16xf32> to vector<16xf32>
        %mul3A_464 = arith.constant 16 : i32
        %mul3A_465 = arith.muli %scan3A_427, %mul3A_464 : i32
        %get3A_466 = arith.constant 1 : i32
        %get3A_467 = arith.index_cast %get3A_466 : i32 to index
        %get3A_468 = arith.index_cast %mul3A_465 : i32 to index
        %get3A_469 = tpu.vector_load %arg5[%get3A_467, %get3A_468] {strides = array<i32>} : memref<4x2048xf32, #tpu.memory_space<vmem>>, vector<1x16xf32>,
        %get3A_470 = vector.shape_cast %get3A_469 : vector<1x16xf32> to vector<16xf32>
        %mul3A_471 = arith.mulf %get3A_463, %get3A_470 : vector<16xf32>
        %mul3A_472 = arith.constant 16 : i32
        %mul3A_473 = arith.muli %scan3A_427, %mul3A_472 : i32
        %swap3A_474 = arith.constant 0 : i32
        %swap3A_475 = arith.constant 1 : i32
        %swap3A_476 = arith.index_cast %swap3A_474 : i32 to index
        %swap3A_477 = arith.index_cast %swap3A_475 : i32 to index
        %swap3A_478 = arith.index_cast %mul3A_473 : i32 to index
        %swap3A_479 = tpu.vector_load %arg7[%swap3A_476, %swap3A_477, %swap3A_478] {strides = array<i32>} : memref<2x4x2048xf32, #tpu.memory_space<vmem>>, vector<1x1x16xf32>,
        %swap3A_480 = vector.shape_cast %swap3A_479 : vector<1x1x16xf32> to vector<16xf32>
        %swap3A_481 = vector.shape_cast %mul3A_471 : vector<16xf32> to vector<1x1x16xf32>
        tpu.vector_store %arg7[%swap3A_476, %swap3A_477, %swap3A_478], %swap3A_481 {strides = array<i32>} : memref<2x4x2048xf32, #tpu.memory_space<vmem>>, vector<1x1x16xf32>,
        %mul3A_482 = arith.constant 16 : i32
        %mul3A_483 = arith.muli %scan3A_427, %mul3A_482 : i32
        %get3A_484 = arith.constant 0 : i32
        %get3A_485 = arith.constant 2 : i32
        %get3A_486 = arith.index_cast %get3A_484 : i32 to index
        %get3A_487 = arith.index_cast %get3A_485 : i32 to index
        %get3A_488 = arith.index_cast %mul3A_483 : i32 to index
        %get3A_489 = tpu.vector_load %arg6[%get3A_486, %get3A_487, %get3A_488] {strides = array<i32>} : memref<2x4x2048xf32, #tpu.memory_space<vmem>>, vector<1x1x16xf32>,
        %get3A_490 = vector.shape_cast %get3A_489 : vector<1x1x16xf32> to vector<16xf32>
        %mul3A_491 = arith.constant 16 : i32
        %mul3A_492 = arith.muli %scan3A_427, %mul3A_491 : i32
        %get3A_493 = arith.constant 2 : i32
        %get3A_494 = arith.index_cast %get3A_493 : i32 to index
        %get3A_495 = arith.index_cast %mul3A_492 : i32 to index
        %get3A_496 = tpu.vector_load %arg5[%get3A_494, %get3A_495] {strides = array<i32>} : memref<4x2048xf32, #tpu.memory_space<vmem>>, vector<1x16xf32>,
        %get3A_497 = vector.shape_cast %get3A_496 : vector<1x16xf32> to vector<16xf32>
        %mul3A_498 = arith.mulf %get3A_490, %get3A_497 : vector<16xf32>
        %mul3A_499 = arith.constant 16 : i32
        %mul3A_500 = arith.muli %scan3A_427, %mul3A_499 : i32
        %swap3A_501 = arith.constant 0 : i32
        %swap3A_502 = arith.constant 2 : i32
        %swap3A_503 = arith.index_cast %swap3A_501 : i32 to index
        %swap3A_504 = arith.index_cast %swap3A_502 : i32 to index
        %swap3A_505 = arith.index_cast %mul3A_500 : i32 to index
        %swap3A_506 = tpu.vector_load %arg7[%swap3A_503, %swap3A_504, %swap3A_505] {strides = array<i32>} : memref<2x4x2048xf32, #tpu.memory_space<vmem>>, vector<1x1x16xf32>,
        %swap3A_507 = vector.shape_cast %swap3A_506 : vector<1x1x16xf32> to vector<16xf32>
        %swap3A_508 = vector.shape_cast %mul3A_498 : vector<16xf32> to vector<1x1x16xf32>
        tpu.vector_store %arg7[%swap3A_503, %swap3A_504, %swap3A_505], %swap3A_508 {strides = array<i32>} : memref<2x4x2048xf32, #tpu.memory_space<vmem>>, vector<1x1x16xf32>,
        %mul3A_509 = arith.constant 16 : i32
        %mul3A_510 = arith.muli %scan3A_427, %mul3A_509 : i32
        %get3A_511 = arith.constant 0 : i32
        %get3A_512 = arith.constant 3 : i32
        %get3A_513 = arith.index_cast %get3A_511 : i32 to index
        %get3A_514 = arith.index_cast %get3A_512 : i32 to index
        %get3A_515 = arith.index_cast %mul3A_510 : i32 to index
        %get3A_516 = tpu.vector_load %arg6[%get3A_513, %get3A_514, %get3A_515] {strides = array<i32>} : memref<2x4x2048xf32, #tpu.memory_space<vmem>>, vector<1x1x16xf32>,
        %get3A_517 = vector.shape_cast %get3A_516 : vector<1x1x16xf32> to vector<16xf32>
        %mul3A_518 = arith.constant 16 : i32
        %mul3A_519 = arith.muli %scan3A_427, %mul3A_518 : i32
        %get3A_520 = arith.constant 3 : i32
        %get3A_521 = arith.index_cast %get3A_520 : i32 to index
        %get3A_522 = arith.index_cast %mul3A_519 : i32 to index
        %get3A_523 = tpu.vector_load %arg5[%get3A_521, %get3A_522] {strides = array<i32>} : memref<4x2048xf32, #tpu.memory_space<vmem>>, vector<1x16xf32>,
        %get3A_524 = vector.shape_cast %get3A_523 : vector<1x16xf32> to vector<16xf32>
        %mul3A_525 = arith.mulf %get3A_517, %get3A_524 : vector<16xf32>
        %mul3A_526 = arith.constant 16 : i32
        %mul3A_527 = arith.muli %scan3A_427, %mul3A_526 : i32
        %swap3A_528 = arith.constant 0 : i32
        %swap3A_529 = arith.constant 3 : i32
        %swap3A_530 = arith.index_cast %swap3A_528 : i32 to index
        %swap3A_531 = arith.index_cast %swap3A_529 : i32 to index
        %swap3A_532 = arith.index_cast %mul3A_527 : i32 to index
        %swap3A_533 = tpu.vector_load %arg7[%swap3A_530, %swap3A_531, %swap3A_532] {strides = array<i32>} : memref<2x4x2048xf32, #tpu.memory_space<vmem>>, vector<1x1x16xf32>,
        %swap3A_534 = vector.shape_cast %swap3A_533 : vector<1x1x16xf32> to vector<16xf32>
        %swap3A_535 = vector.shape_cast %mul3A_525 : vector<16xf32> to vector<1x1x16xf32>
        tpu.vector_store %arg7[%swap3A_530, %swap3A_531, %swap3A_532], %swap3A_535 {strides = array<i32>} : memref<2x4x2048xf32, #tpu.memory_space<vmem>>, vector<1x1x16xf32>,
        %scan3A_536 = arith.constant 3 : i32
        %scan3A_537 = arith.addi %scan3A_209, %scan3A_536 : i32
        %mul3A_538 = arith.constant 16 : i32
        %mul3A_539 = arith.muli %scan3A_537, %mul3A_538 : i32
        %get3A_540 = arith.constant 0 : i32
        %get3A_541 = arith.constant 0 : i32
        %get3A_542 = arith.index_cast %get3A_540 : i32 to index
        %get3A_543 = arith.index_cast %get3A_541 : i32 to index
        %get3A_544 = arith.index_cast %mul3A_539 : i32 to index
        %get3A_545 = tpu.vector_load %arg6[%get3A_542, %get3A_543, %get3A_544] {strides = array<i32>} : memref<2x4x2048xf32, #tpu.memory_space<vmem>>, vector<1x1x16xf32>,
        %get3A_546 = vector.shape_cast %get3A_545 : vector<1x1x16xf32> to vector<16xf32>
        %mul3A_547 = arith.constant 16 : i32
        %mul3A_548 = arith.muli %scan3A_537, %mul3A_547 : i32
        %get3A_549 = arith.constant 0 : i32
        %get3A_550 = arith.index_cast %get3A_549 : i32 to index
        %get3A_551 = arith.index_cast %mul3A_548 : i32 to index
        %get3A_552 = tpu.vector_load %arg5[%get3A_550, %get3A_551] {strides = array<i32>} : memref<4x2048xf32, #tpu.memory_space<vmem>>, vector<1x16xf32>,
        %get3A_553 = vector.shape_cast %get3A_552 : vector<1x16xf32> to vector<16xf32>
        %mul3A_554 = arith.mulf %get3A_546, %get3A_553 : vector<16xf32>
        %mul3A_555 = arith.constant 16 : i32
        %mul3A_556 = arith.muli %scan3A_537, %mul3A_555 : i32
        %swap3A_557 = arith.constant 0 : i32
        %swap3A_558 = arith.constant 0 : i32
        %swap3A_559 = arith.index_cast %swap3A_557 : i32 to index
        %swap3A_560 = arith.index_cast %swap3A_558 : i32 to index
        %swap3A_561 = arith.index_cast %mul3A_556 : i32 to index
        %swap3A_562 = tpu.vector_load %arg7[%swap3A_559, %swap3A_560, %swap3A_561] {strides = array<i32>} : memref<2x4x2048xf32, #tpu.memory_space<vmem>>, vector<1x1x16xf32>,
        %swap3A_563 = vector.shape_cast %swap3A_562 : vector<1x1x16xf32> to vector<16xf32>
        %swap3A_564 = vector.shape_cast %mul3A_554 : vector<16xf32> to vector<1x1x16xf32>
        tpu.vector_store %arg7[%swap3A_559, %swap3A_560, %swap3A_561], %swap3A_564 {strides = array<i32>} : memref<2x4x2048xf32, #tpu.memory_space<vmem>>, vector<1x1x16xf32>,
        %mul3A_565 = arith.constant 16 : i32
        %mul3A_566 = arith.muli %scan3A_537, %mul3A_565 : i32
        %get3A_567 = arith.constant 0 : i32
        %get3A_568 = arith.constant 1 : i32
        %get3A_569 = arith.index_cast %get3A_567 : i32 to index
        %get3A_570 = arith.index_cast %get3A_568 : i32 to index
        %get3A_571 = arith.index_cast %mul3A_566 : i32 to index
        %get3A_572 = tpu.vector_load %arg6[%get3A_569, %get3A_570, %get3A_571] {strides = array<i32>} : memref<2x4x2048xf32, #tpu.memory_space<vmem>>, vector<1x1x16xf32>,
        %get3A_573 = vector.shape_cast %get3A_572 : vector<1x1x16xf32> to vector<16xf32>
        %mul3A_574 = arith.constant 16 : i32
        %mul3A_575 = arith.muli %scan3A_537, %mul3A_574 : i32
        %get3A_576 = arith.constant 1 : i32
        %get3A_577 = arith.index_cast %get3A_576 : i32 to index
        %get3A_578 = arith.index_cast %mul3A_575 : i32 to index
        %get3A_579 = tpu.vector_load %arg5[%get3A_577, %get3A_578] {strides = array<i32>} : memref<4x2048xf32, #tpu.memory_space<vmem>>, vector<1x16xf32>,
        %get3A_580 = vector.shape_cast %get3A_579 : vector<1x16xf32> to vector<16xf32>
        %mul3A_581 = arith.mulf %get3A_573, %get3A_580 : vector<16xf32>
        %mul3A_582 = arith.constant 16 : i32
        %mul3A_583 = arith.muli %scan3A_537, %mul3A_582 : i32
        %swap3A_584 = arith.constant 0 : i32
        %swap3A_585 = arith.constant 1 : i32
        %swap3A_586 = arith.index_cast %swap3A_584 : i32 to index
        %swap3A_587 = arith.index_cast %swap3A_585 : i32 to index
        %swap3A_588 = arith.index_cast %mul3A_583 : i32 to index
        %swap3A_589 = tpu.vector_load %arg7[%swap3A_586, %swap3A_587, %swap3A_588] {strides = array<i32>} : memref<2x4x2048xf32, #tpu.memory_space<vmem>>, vector<1x1x16xf32>,
        %swap3A_590 = vector.shape_cast %swap3A_589 : vector<1x1x16xf32> to vector<16xf32>
        %swap3A_591 = vector.shape_cast %mul3A_581 : vector<16xf32> to vector<1x1x16xf32>
        tpu.vector_store %arg7[%swap3A_586, %swap3A_587, %swap3A_588], %swap3A_591 {strides = array<i32>} : memref<2x4x2048xf32, #tpu.memory_space<vmem>>, vector<1x1x16xf32>,
        %mul3A_592 = arith.constant 16 : i32
        %mul3A_593 = arith.muli %scan3A_537, %mul3A_592 : i32
        %get3A_594 = arith.constant 0 : i32
        %get3A_595 = arith.constant 2 : i32
        %get3A_596 = arith.index_cast %get3A_594 : i32 to index
        %get3A_597 = arith.index_cast %get3A_595 : i32 to index
        %get3A_598 = arith.index_cast %mul3A_593 : i32 to index
        %get3A_599 = tpu.vector_load %arg6[%get3A_596, %get3A_597, %get3A_598] {strides = array<i32>} : memref<2x4x2048xf32, #tpu.memory_space<vmem>>, vector<1x1x16xf32>,
        %get3A_600 = vector.shape_cast %get3A_599 : vector<1x1x16xf32> to vector<16xf32>
        %mul3A_601 = arith.constant 16 : i32
        %mul3A_602 = arith.muli %scan3A_537, %mul3A_601 : i32
        %get3A_603 = arith.constant 2 : i32
        %get3A_604 = arith.index_cast %get3A_603 : i32 to index
        %get3A_605 = arith.index_cast %mul3A_602 : i32 to index
        %get3A_606 = tpu.vector_load %arg5[%get3A_604, %get3A_605] {strides = array<i32>} : memref<4x2048xf32, #tpu.memory_space<vmem>>, vector<1x16xf32>,
        %get3A_607 = vector.shape_cast %get3A_606 : vector<1x16xf32> to vector<16xf32>
        %mul3A_608 = arith.mulf %get3A_600, %get3A_607 : vector<16xf32>
        %mul3A_609 = arith.constant 16 : i32
        %mul3A_610 = arith.muli %scan3A_537, %mul3A_609 : i32
        %swap3A_611 = arith.constant 0 : i32
        %swap3A_612 = arith.constant 2 : i32
        %swap3A_613 = arith.index_cast %swap3A_611 : i32 to index
        %swap3A_614 = arith.index_cast %swap3A_612 : i32 to index
        %swap3A_615 = arith.index_cast %mul3A_610 : i32 to index
        %swap3A_616 = tpu.vector_load %arg7[%swap3A_613, %swap3A_614, %swap3A_615] {strides = array<i32>} : memref<2x4x2048xf32, #tpu.memory_space<vmem>>, vector<1x1x16xf32>,
        %swap3A_617 = vector.shape_cast %swap3A_616 : vector<1x1x16xf32> to vector<16xf32>
        %swap3A_618 = vector.shape_cast %mul3A_608 : vector<16xf32> to vector<1x1x16xf32>
        tpu.vector_store %arg7[%swap3A_613, %swap3A_614, %swap3A_615], %swap3A_618 {strides = array<i32>} : memref<2x4x2048xf32, #tpu.memory_space<vmem>>, vector<1x1x16xf32>,
        %mul3A_619 = arith.constant 16 : i32
        %mul3A_620 = arith.muli %scan3A_537, %mul3A_619 : i32
        %get3A_621 = arith.constant 0 : i32
        %get3A_622 = arith.constant 3 : i32
        %get3A_623 = arith.index_cast %get3A_621 : i32 to index
        %get3A_624 = arith.index_cast %get3A_622 : i32 to index
        %get3A_625 = arith.index_cast %mul3A_620 : i32 to index
        %get3A_626 = tpu.vector_load %arg6[%get3A_623, %get3A_624, %get3A_625] {strides = array<i32>} : memref<2x4x2048xf32, #tpu.memory_space<vmem>>, vector<1x1x16xf32>,
        %get3A_627 = vector.shape_cast %get3A_626 : vector<1x1x16xf32> to vector<16xf32>
        %mul3A_628 = arith.constant 16 : i32
        %mul3A_629 = arith.muli %scan3A_537, %mul3A_628 : i32
        %get3A_630 = arith.constant 3 : i32
        %get3A_631 = arith.index_cast %get3A_630 : i32 to index
        %get3A_632 = arith.index_cast %mul3A_629 : i32 to index
        %get3A_633 = tpu.vector_load %arg5[%get3A_631, %get3A_632] {strides = array<i32>} : memref<4x2048xf32, #tpu.memory_space<vmem>>, vector<1x16xf32>,
        %get3A_634 = vector.shape_cast %get3A_633 : vector<1x16xf32> to vector<16xf32>
        %mul3A_635 = arith.mulf %get3A_627, %get3A_634 : vector<16xf32>
        %mul3A_636 = arith.constant 16 : i32
        %mul3A_637 = arith.muli %scan3A_537, %mul3A_636 : i32
        %swap3A_638 = arith.constant 0 : i32
        %swap3A_639 = arith.constant 3 : i32
        %swap3A_640 = arith.index_cast %swap3A_638 : i32 to index
        %swap3A_641 = arith.index_cast %swap3A_639 : i32 to index
        %swap3A_642 = arith.index_cast %mul3A_637 : i32 to index
        %swap3A_643 = tpu.vector_load %arg7[%swap3A_640, %swap3A_641, %swap3A_642] {strides = array<i32>} : memref<2x4x2048xf32, #tpu.memory_space<vmem>>, vector<1x1x16xf32>,
        %swap3A_644 = vector.shape_cast %swap3A_643 : vector<1x1x16xf32> to vector<16xf32>
        %swap3A_645 = vector.shape_cast %mul3A_635 : vector<16xf32> to vector<1x1x16xf32>
        tpu.vector_store %arg7[%swap3A_640, %swap3A_641, %swap3A_642], %swap3A_645 {strides = array<i32>} : memref<2x4x2048xf32, #tpu.memory_space<vmem>>, vector<1x1x16xf32>,
      }
      %scan3A_126 = arith.constant 128 : i32
      %dma_start3A_127 = arith.constant 0 : i32
      %dma_start3A_128 = arith.constant 0 : i32
      %dma_start3A_129 = arith.constant 0 : i32
      %dma_start3A_130 = arith.constant 0 : i32
      %dma_start3A_131 = tpu.memref_slice %arg7[%dma_start3A_127, %dma_start3A_129, %dma_start3A_130] : memref<2x4x2048xf32, #tpu.memory_space<vmem>> -> memref<1x4x2048xf32, #tpu.memory_space<vmem>>
      %dma_start3A_132 = tpu.memref_squeeze %dma_start3A_131 : memref<1x4x2048xf32, #tpu.memory_space<vmem>> -> memref<4x2048xf32, #tpu.memory_space<vmem>>
      %dma_start3A_133 = arith.constant 0 : i32
      %dma_start3A_134 = tpu.memref_slice %arg4[%add3A_100, %mul3A_2, %dma_start3A_133] : memref<64x128x2048xf32, #tpu.memory_space<hbm>> -> memref<1x4x2048xf32, #tpu.memory_space<hbm>>
      %dma_start3A_135 = tpu.memref_squeeze %dma_start3A_134 : memref<1x4x2048xf32, #tpu.memory_space<hbm>> -> memref<4x2048xf32, #tpu.memory_space<hbm>>
      %dma_start3A_136 = tpu.memref_slice %arg9[%dma_start3A_128] : memref<2x!tpu.dma_semaphore, #tpu.memory_space<semaphore_mem>> -> memref<1x!tpu.dma_semaphore, #tpu.memory_space<semaphore_mem>>
      %dma_start3A_137 = tpu.memref_squeeze %dma_start3A_136 : memref<1x!tpu.dma_semaphore, #tpu.memory_space<semaphore_mem>> -> memref<!tpu.dma_semaphore, #tpu.memory_space<semaphore_mem>>
      %dma_start3A_138 = arith.constant 0 : i32
      %dma_start3A_139 = tpu.memref_slice %arg4[%add3A_100, %mul3A_2, %dma_start3A_138] : memref<64x128x2048xf32, #tpu.memory_space<hbm>> -> memref<1x4x2048xf32, #tpu.memory_space<hbm>>
      %dma_start3A_140 = tpu.memref_squeeze %dma_start3A_139 : memref<1x4x2048xf32, #tpu.memory_space<hbm>> -> memref<4x2048xf32, #tpu.memory_space<hbm>>
      %dma_start3A_141 = arith.constant 0 : i32
      %dma_start3A_142 = arith.constant 0 : i32
      %dma_start3A_143 = tpu.memref_slice %arg7[%dma_start3A_127, %dma_start3A_141, %dma_start3A_142] : memref<2x4x2048xf32, #tpu.memory_space<vmem>> -> memref<1x4x2048xf32, #tpu.memory_space<vmem>>
      %dma_start3A_144 = tpu.memref_squeeze %dma_start3A_143 : memref<1x4x2048xf32, #tpu.memory_space<vmem>> -> memref<4x2048xf32, #tpu.memory_space<vmem>>
      tpu.enqueue_dma source(%dma_start3A_144 : memref<4x2048xf32, #tpu.memory_space<vmem>>) target(%dma_start3A_140 : memref<4x2048xf32, #tpu.memory_space<hbm>>) target_semaphore(%dma_start3A_137 : memref<!tpu.dma_semaphore, #tpu.memory_space<semaphore_mem>>)
      %add3A_145 = arith.constant 2 : i32
      %add3A_146 = arith.addi %add3A_100, %add3A_145 : i32
      %lt3A = arith.constant 64 : i32
      %lt3A_147 = arith.cmpi slt, %add3A_146, %lt3A : i32
      %convert_element_type3A_148 = arith.extui %lt3A_147 : i1 to i32
      %cond3A_149 = arith.constant 0 : i32
      %cond3A_150 = arith.cmpi ne, %convert_element_type3A_148, %cond3A_149 : i32
      scf.if %cond3A_150 {
        %add3A_209 = arith.constant 2 : i32
        %add3A_210 = arith.addi %add3A_100, %add3A_209 : i32
        %dma_start3A_211 = arith.constant 0 : i32
        %dma_start3A_212 = arith.constant 0 : i32
        %dma_start3A_213 = arith.constant 0 : i32
        %dma_start3A_214 = arith.constant 0 : i32
        %dma_start3A_215 = tpu.memref_slice %arg6[%dma_start3A_211, %dma_start3A_213, %dma_start3A_214] : memref<2x4x2048xf32, #tpu.memory_space<vmem>> -> memref<1x4x2048xf32, #tpu.memory_space<vmem>>
        %dma_start3A_216 = tpu.memref_squeeze %dma_start3A_215 : memref<1x4x2048xf32, #tpu.memory_space<vmem>> -> memref<4x2048xf32, #tpu.memory_space<vmem>>
        %dma_start3A_217 = arith.constant 0 : i32
        %dma_start3A_218 = tpu.memref_slice %arg3[%add3A_210, %mul3A_2, %dma_start3A_217] : memref<64x128x2048xf32, #tpu.memory_space<hbm>> -> memref<1x4x2048xf32, #tpu.memory_space<hbm>>
        %dma_start3A_219 = tpu.memref_squeeze %dma_start3A_218 : memref<1x4x2048xf32, #tpu.memory_space<hbm>> -> memref<4x2048xf32, #tpu.memory_space<hbm>>
        %dma_start3A_220 = tpu.memref_slice %arg8[%dma_start3A_212] : memref<2x!tpu.dma_semaphore, #tpu.memory_space<semaphore_mem>> -> memref<1x!tpu.dma_semaphore, #tpu.memory_space<semaphore_mem>>
        %dma_start3A_221 = tpu.memref_squeeze %dma_start3A_220 : memref<1x!tpu.dma_semaphore, #tpu.memory_space<semaphore_mem>> -> memref<!tpu.dma_semaphore, #tpu.memory_space<semaphore_mem>>
        %dma_start3A_222 = arith.constant 0 : i32
        %dma_start3A_223 = arith.constant 0 : i32
        %dma_start3A_224 = tpu.memref_slice %arg6[%dma_start3A_211, %dma_start3A_222, %dma_start3A_223] : memref<2x4x2048xf32, #tpu.memory_space<vmem>> -> memref<1x4x2048xf32, #tpu.memory_space<vmem>>
        %dma_start3A_225 = tpu.memref_squeeze %dma_start3A_224 : memref<1x4x2048xf32, #tpu.memory_space<vmem>> -> memref<4x2048xf32, #tpu.memory_space<vmem>>
        %dma_start3A_226 = arith.constant 0 : i32
        %dma_start3A_227 = tpu.memref_slice %arg3[%add3A_210, %mul3A_2, %dma_start3A_226] : memref<64x128x2048xf32, #tpu.memory_space<hbm>> -> memref<1x4x2048xf32, #tpu.memory_space<hbm>>
        %dma_start3A_228 = tpu.memref_squeeze %dma_start3A_227 : memref<1x4x2048xf32, #tpu.memory_space<hbm>> -> memref<4x2048xf32, #tpu.memory_space<hbm>>
        tpu.enqueue_dma source(%dma_start3A_228 : memref<4x2048xf32, #tpu.memory_space<hbm>>) target(%dma_start3A_225 : memref<4x2048xf32, #tpu.memory_space<vmem>>) target_semaphore(%dma_start3A_221 : memref<!tpu.dma_semaphore, #tpu.memory_space<semaphore_mem>>)
      } else {
      }
      %mul3A_151 = arith.constant 2 : i32
      %mul3A_152 = arith.muli %mul3A_151, %scan3A_96 : i32
      %add3A_153 = arith.constant 1 : i32
      %add3A_154 = arith.addi %mul3A_152, %add3A_153 : i32
      %dma_wait3A_155 = arith.constant 1 : i32
      %dma_wait3A_156 = arith.constant 1 : i32
      %dma_wait3A_157 = arith.constant 0 : i32
      %dma_wait3A_158 = arith.constant 0 : i32
      %dma_wait3A_159 = tpu.memref_slice %arg6[%dma_wait3A_155, %dma_wait3A_157, %dma_wait3A_158] : memref<2x4x2048xf32, #tpu.memory_space<vmem>> -> memref<1x4x2048xf32, #tpu.memory_space<vmem>>
      %dma_wait3A_160 = tpu.memref_squeeze %dma_wait3A_159 : memref<1x4x2048xf32, #tpu.memory_space<vmem>> -> memref<4x2048xf32, #tpu.memory_space<vmem>>
      %dma_wait3A_161 = arith.constant 0 : i32
      %dma_wait3A_162 = tpu.memref_slice %arg3[%add3A_154, %mul3A_2, %dma_wait3A_161] : memref<64x128x2048xf32, #tpu.memory_space<hbm>> -> memref<1x4x2048xf32, #tpu.memory_space<hbm>>
      %dma_wait3A_163 = tpu.memref_squeeze %dma_wait3A_162 : memref<1x4x2048xf32, #tpu.memory_space<hbm>> -> memref<4x2048xf32, #tpu.memory_space<hbm>>
      %dma_wait3A_164 = tpu.memref_slice %arg8[%dma_wait3A_156] : memref<2x!tpu.dma_semaphore, #tpu.memory_space<semaphore_mem>> -> memref<1x!tpu.dma_semaphore, #tpu.memory_space<semaphore_mem>>
      %dma_wait3A_165 = tpu.memref_squeeze %dma_wait3A_164 : memref<1x!tpu.dma_semaphore, #tpu.memory_space<semaphore_mem>> -> memref<!tpu.dma_semaphore, #tpu.memory_space<semaphore_mem>>
      %dma_wait3A_166 = arith.constant 0 : i32
      %dma_wait3A_167 = arith.constant 0 : i32
      %dma_wait3A_168 = tpu.memref_slice %arg6[%dma_wait3A_155, %dma_wait3A_166, %dma_wait3A_167] : memref<2x4x2048xf32, #tpu.memory_space<vmem>> -> memref<1x4x2048xf32, #tpu.memory_space<vmem>>
      %dma_wait3A_169 = tpu.memref_squeeze %dma_wait3A_168 : memref<1x4x2048xf32, #tpu.memory_space<vmem>> -> memref<4x2048xf32, #tpu.memory_space<vmem>>
      %dma_wait3A_170 = arith.constant 0 : i32
      %dma_wait3A_171 = tpu.memref_slice %arg3[%add3A_154, %mul3A_2, %dma_wait3A_170] : memref<64x128x2048xf32, #tpu.memory_space<hbm>> -> memref<1x4x2048xf32, #tpu.memory_space<hbm>>
      %dma_wait3A_172 = tpu.memref_squeeze %dma_wait3A_171 : memref<1x4x2048xf32, #tpu.memory_space<hbm>> -> memref<4x2048xf32, #tpu.memory_space<hbm>>
      tpu.wait_dma2 semaphore(%dma_wait3A_165 : memref<!tpu.dma_semaphore, #tpu.memory_space<semaphore_mem>>) src(%dma_wait3A_172 : memref<4x2048xf32, #tpu.memory_space<hbm>>) dst(%dma_wait3A_169 : memref<4x2048xf32, #tpu.memory_space<vmem>>)
      %ge3A_173 = arith.constant 2 : i32
      %ge3A_174 = arith.cmpi sge, %add3A_154, %ge3A_173 : i32
      %convert_element_type3A_175 = arith.extui %ge3A_174 : i1 to i32
      %cond3A_176 = arith.constant 0 : i32
      %cond3A_177 = arith.cmpi ne, %convert_element_type3A_175, %cond3A_176 : i32
      scf.if %cond3A_177 {
        %sub3A = arith.constant 2 : i32
        %sub3A_209 = arith.subi %add3A_154, %sub3A : i32
        %dma_wait3A_210 = arith.constant 1 : i32
        %dma_wait3A_211 = arith.constant 1 : i32
        %dma_wait3A_212 = arith.constant 0 : i32
        %dma_wait3A_213 = arith.constant 0 : i32
        %dma_wait3A_214 = tpu.memref_slice %arg7[%dma_wait3A_210, %dma_wait3A_212, %dma_wait3A_213] : memref<2x4x2048xf32, #tpu.memory_space<vmem>> -> memref<1x4x2048xf32, #tpu.memory_space<vmem>>
        %dma_wait3A_215 = tpu.memref_squeeze %dma_wait3A_214 : memref<1x4x2048xf32, #tpu.memory_space<vmem>> -> memref<4x2048xf32, #tpu.memory_space<vmem>>
        %dma_wait3A_216 = arith.constant 0 : i32
        %dma_wait3A_217 = tpu.memref_slice %arg4[%sub3A_209, %mul3A_2, %dma_wait3A_216] : memref<64x128x2048xf32, #tpu.memory_space<hbm>> -> memref<1x4x2048xf32, #tpu.memory_space<hbm>>
        %dma_wait3A_218 = tpu.memref_squeeze %dma_wait3A_217 : memref<1x4x2048xf32, #tpu.memory_space<hbm>> -> memref<4x2048xf32, #tpu.memory_space<hbm>>
        %dma_wait3A_219 = tpu.memref_slice %arg9[%dma_wait3A_211] : memref<2x!tpu.dma_semaphore, #tpu.memory_space<semaphore_mem>> -> memref<1x!tpu.dma_semaphore, #tpu.memory_space<semaphore_mem>>
        %dma_wait3A_220 = tpu.memref_squeeze %dma_wait3A_219 : memref<1x!tpu.dma_semaphore, #tpu.memory_space<semaphore_mem>> -> memref<!tpu.dma_semaphore, #tpu.memory_space<semaphore_mem>>
        %dma_wait3A_221 = arith.constant 0 : i32
        %dma_wait3A_222 = tpu.memref_slice %arg4[%sub3A_209, %mul3A_2, %dma_wait3A_221] : memref<64x128x2048xf32, #tpu.memory_space<hbm>> -> memref<1x4x2048xf32, #tpu.memory_space<hbm>>
        %dma_wait3A_223 = tpu.memref_squeeze %dma_wait3A_222 : memref<1x4x2048xf32, #tpu.memory_space<hbm>> -> memref<4x2048xf32, #tpu.memory_space<hbm>>
        %dma_wait3A_224 = arith.constant 0 : i32
        %dma_wait3A_225 = arith.constant 0 : i32
        %dma_wait3A_226 = tpu.memref_slice %arg7[%dma_wait3A_210, %dma_wait3A_224, %dma_wait3A_225] : memref<2x4x2048xf32, #tpu.memory_space<vmem>> -> memref<1x4x2048xf32, #tpu.memory_space<vmem>>
        %dma_wait3A_227 = tpu.memref_squeeze %dma_wait3A_226 : memref<1x4x2048xf32, #tpu.memory_space<vmem>> -> memref<4x2048xf32, #tpu.memory_space<vmem>>
        tpu.wait_dma2 semaphore(%dma_wait3A_220 : memref<!tpu.dma_semaphore, #tpu.memory_space<semaphore_mem>>) src(%dma_wait3A_227 : memref<4x2048xf32, #tpu.memory_space<vmem>>) dst(%dma_wait3A_223 : memref<4x2048xf32, #tpu.memory_space<hbm>>)
      } else {
      }
      %scan3A_178 = arith.constant 0 : i32
      %scan3A_179 = arith.constant 0 : i32
      %scan3A_180 = arith.constant 128 : i32
      %scan3A_181 = arith.addi %scan3A_179, %scan3A_180 : i32
      %scan3A_182 = arith.constant 4 : i32
      scf.for %scan3A_209 = %scan3A_179 to %scan3A_181 step %scan3A_182  : i32 {
        %mul3A_210 = arith.constant 16 : i32
        %mul3A_211 = arith.muli %scan3A_209, %mul3A_210 : i32
        %get3A = arith.constant 1 : i32
        %get3A_212 = arith.constant 0 : i32
        %get3A_213 = arith.index_cast %get3A : i32 to index
        %get3A_214 = arith.index_cast %get3A_212 : i32 to index
        %get3A_215 = arith.index_cast %mul3A_211 : i32 to index
        %get3A_216 = tpu.vector_load %arg6[%get3A_213, %get3A_214, %get3A_215] {strides = array<i32>} : memref<2x4x2048xf32, #tpu.memory_space<vmem>>, vector<1x1x16xf32>,
        %get3A_217 = vector.shape_cast %get3A_216 : vector<1x1x16xf32> to vector<16xf32>
        %mul3A_218 = arith.constant 16 : i32
        %mul3A_219 = arith.muli %scan3A_209, %mul3A_218 : i32
        %get3A_220 = arith.constant 0 : i32
        %get3A_221 = arith.index_cast %get3A_220 : i32 to index
        %get3A_222 = arith.index_cast %mul3A_219 : i32 to index
        %get3A_223 = tpu.vector_load %arg5[%get3A_221, %get3A_222] {strides = array<i32>} : memref<4x2048xf32, #tpu.memory_space<vmem>>, vector<1x16xf32>,
        %get3A_224 = vector.shape_cast %get3A_223 : vector<1x16xf32> to vector<16xf32>
        %mul3A_225 = arith.mulf %get3A_217, %get3A_224 : vector<16xf32>
        %mul3A_226 = arith.constant 16 : i32
        %mul3A_227 = arith.muli %scan3A_209, %mul3A_226 : i32
        %swap3A = arith.constant 1 : i32
        %swap3A_228 = arith.constant 0 : i32
        %swap3A_229 = arith.index_cast %swap3A : i32 to index
        %swap3A_230 = arith.index_cast %swap3A_228 : i32 to index
        %swap3A_231 = arith.index_cast %mul3A_227 : i32 to index
        %swap3A_232 = tpu.vector_load %arg7[%swap3A_229, %swap3A_230, %swap3A_231] {strides = array<i32>} : memref<2x4x2048xf32, #tpu.memory_space<vmem>>, vector<1x1x16xf32>,
        %swap3A_233 = vector.shape_cast %swap3A_232 : vector<1x1x16xf32> to vector<16xf32>
        %swap3A_234 = vector.shape_cast %mul3A_225 : vector<16xf32> to vector<1x1x16xf32>
        tpu.vector_store %arg7[%swap3A_229, %swap3A_230, %swap3A_231], %swap3A_234 {strides = array<i32>} : memref<2x4x2048xf32, #tpu.memory_space<vmem>>, vector<1x1x16xf32>,
        %mul3A_235 = arith.constant 16 : i32
        %mul3A_236 = arith.muli %scan3A_209, %mul3A_235 : i32
        %get3A_237 = arith.constant 1 : i32
        %get3A_238 = arith.constant 1 : i32
        %get3A_239 = arith.index_cast %get3A_237 : i32 to index
        %get3A_240 = arith.index_cast %get3A_238 : i32 to index
        %get3A_241 = arith.index_cast %mul3A_236 : i32 to index
        %get3A_242 = tpu.vector_load %arg6[%get3A_239, %get3A_240, %get3A_241] {strides = array<i32>} : memref<2x4x2048xf32, #tpu.memory_space<vmem>>, vector<1x1x16xf32>,
        %get3A_243 = vector.shape_cast %get3A_242 : vector<1x1x16xf32> to vector<16xf32>
        %mul3A_244 = arith.constant 16 : i32
        %mul3A_245 = arith.muli %scan3A_209, %mul3A_244 : i32
        %get3A_246 = arith.constant 1 : i32
        %get3A_247 = arith.index_cast %get3A_246 : i32 to index
        %get3A_248 = arith.index_cast %mul3A_245 : i32 to index
        %get3A_249 = tpu.vector_load %arg5[%get3A_247, %get3A_248] {strides = array<i32>} : memref<4x2048xf32, #tpu.memory_space<vmem>>, vector<1x16xf32>,
        %get3A_250 = vector.shape_cast %get3A_249 : vector<1x16xf32> to vector<16xf32>
        %mul3A_251 = arith.mulf %get3A_243, %get3A_250 : vector<16xf32>
        %mul3A_252 = arith.constant 16 : i32
        %mul3A_253 = arith.muli %scan3A_209, %mul3A_252 : i32
        %swap3A_254 = arith.constant 1 : i32
        %swap3A_255 = arith.constant 1 : i32
        %swap3A_256 = arith.index_cast %swap3A_254 : i32 to index
        %swap3A_257 = arith.index_cast %swap3A_255 : i32 to index
        %swap3A_258 = arith.index_cast %mul3A_253 : i32 to index
        %swap3A_259 = tpu.vector_load %arg7[%swap3A_256, %swap3A_257, %swap3A_258] {strides = array<i32>} : memref<2x4x2048xf32, #tpu.memory_space<vmem>>, vector<1x1x16xf32>,
        %swap3A_260 = vector.shape_cast %swap3A_259 : vector<1x1x16xf32> to vector<16xf32>
        %swap3A_261 = vector.shape_cast %mul3A_251 : vector<16xf32> to vector<1x1x16xf32>
        tpu.vector_store %arg7[%swap3A_256, %swap3A_257, %swap3A_258], %swap3A_261 {strides = array<i32>} : memref<2x4x2048xf32, #tpu.memory_space<vmem>>, vector<1x1x16xf32>,
        %mul3A_262 = arith.constant 16 : i32
        %mul3A_263 = arith.muli %scan3A_209, %mul3A_262 : i32
        %get3A_264 = arith.constant 1 : i32
        %get3A_265 = arith.constant 2 : i32
        %get3A_266 = arith.index_cast %get3A_264 : i32 to index
        %get3A_267 = arith.index_cast %get3A_265 : i32 to index
        %get3A_268 = arith.index_cast %mul3A_263 : i32 to index
        %get3A_269 = tpu.vector_load %arg6[%get3A_266, %get3A_267, %get3A_268] {strides = array<i32>} : memref<2x4x2048xf32, #tpu.memory_space<vmem>>, vector<1x1x16xf32>,
        %get3A_270 = vector.shape_cast %get3A_269 : vector<1x1x16xf32> to vector<16xf32>
        %mul3A_271 = arith.constant 16 : i32
        %mul3A_272 = arith.muli %scan3A_209, %mul3A_271 : i32
        %get3A_273 = arith.constant 2 : i32
        %get3A_274 = arith.index_cast %get3A_273 : i32 to index
        %get3A_275 = arith.index_cast %mul3A_272 : i32 to index
        %get3A_276 = tpu.vector_load %arg5[%get3A_274, %get3A_275] {strides = array<i32>} : memref<4x2048xf32, #tpu.memory_space<vmem>>, vector<1x16xf32>,
        %get3A_277 = vector.shape_cast %get3A_276 : vector<1x16xf32> to vector<16xf32>
        %mul3A_278 = arith.mulf %get3A_270, %get3A_277 : vector<16xf32>
        %mul3A_279 = arith.constant 16 : i32
        %mul3A_280 = arith.muli %scan3A_209, %mul3A_279 : i32
        %swap3A_281 = arith.constant 1 : i32
        %swap3A_282 = arith.constant 2 : i32
        %swap3A_283 = arith.index_cast %swap3A_281 : i32 to index
        %swap3A_284 = arith.index_cast %swap3A_282 : i32 to index
        %swap3A_285 = arith.index_cast %mul3A_280 : i32 to index
        %swap3A_286 = tpu.vector_load %arg7[%swap3A_283, %swap3A_284, %swap3A_285] {strides = array<i32>} : memref<2x4x2048xf32, #tpu.memory_space<vmem>>, vector<1x1x16xf32>,
        %swap3A_287 = vector.shape_cast %swap3A_286 : vector<1x1x16xf32> to vector<16xf32>
        %swap3A_288 = vector.shape_cast %mul3A_278 : vector<16xf32> to vector<1x1x16xf32>
        tpu.vector_store %arg7[%swap3A_283, %swap3A_284, %swap3A_285], %swap3A_288 {strides = array<i32>} : memref<2x4x2048xf32, #tpu.memory_space<vmem>>, vector<1x1x16xf32>,
        %mul3A_289 = arith.constant 16 : i32
        %mul3A_290 = arith.muli %scan3A_209, %mul3A_289 : i32
        %get3A_291 = arith.constant 1 : i32
        %get3A_292 = arith.constant 3 : i32
        %get3A_293 = arith.index_cast %get3A_291 : i32 to index
        %get3A_294 = arith.index_cast %get3A_292 : i32 to index
        %get3A_295 = arith.index_cast %mul3A_290 : i32 to index
        %get3A_296 = tpu.vector_load %arg6[%get3A_293, %get3A_294, %get3A_295] {strides = array<i32>} : memref<2x4x2048xf32, #tpu.memory_space<vmem>>, vector<1x1x16xf32>,
        %get3A_297 = vector.shape_cast %get3A_296 : vector<1x1x16xf32> to vector<16xf32>
        %mul3A_298 = arith.constant 16 : i32
        %mul3A_299 = arith.muli %scan3A_209, %mul3A_298 : i32
        %get3A_300 = arith.constant 3 : i32
        %get3A_301 = arith.index_cast %get3A_300 : i32 to index
        %get3A_302 = arith.index_cast %mul3A_299 : i32 to index
        %get3A_303 = tpu.vector_load %arg5[%get3A_301, %get3A_302] {strides = array<i32>} : memref<4x2048xf32, #tpu.memory_space<vmem>>, vector<1x16xf32>,
        %get3A_304 = vector.shape_cast %get3A_303 : vector<1x16xf32> to vector<16xf32>
        %mul3A_305 = arith.mulf %get3A_297, %get3A_304 : vector<16xf32>
        %mul3A_306 = arith.constant 16 : i32
        %mul3A_307 = arith.muli %scan3A_209, %mul3A_306 : i32
        %swap3A_308 = arith.constant 1 : i32
        %swap3A_309 = arith.constant 3 : i32
        %swap3A_310 = arith.index_cast %swap3A_308 : i32 to index
        %swap3A_311 = arith.index_cast %swap3A_309 : i32 to index
        %swap3A_312 = arith.index_cast %mul3A_307 : i32 to index
        %swap3A_313 = tpu.vector_load %arg7[%swap3A_310, %swap3A_311, %swap3A_312] {strides = array<i32>} : memref<2x4x2048xf32, #tpu.memory_space<vmem>>, vector<1x1x16xf32>,
        %swap3A_314 = vector.shape_cast %swap3A_313 : vector<1x1x16xf32> to vector<16xf32>
        %swap3A_315 = vector.shape_cast %mul3A_305 : vector<16xf32> to vector<1x1x16xf32>
        tpu.vector_store %arg7[%swap3A_310, %swap3A_311, %swap3A_312], %swap3A_315 {strides = array<i32>} : memref<2x4x2048xf32, #tpu.memory_space<vmem>>, vector<1x1x16xf32>,
        %scan3A_316 = arith.constant 1 : i32
        %scan3A_317 = arith.addi %scan3A_209, %scan3A_316 : i32
        %mul3A_318 = arith.constant 16 : i32
        %mul3A_319 = arith.muli %scan3A_317, %mul3A_318 : i32
        %get3A_320 = arith.constant 1 : i32
        %get3A_321 = arith.constant 0 : i32
        %get3A_322 = arith.index_cast %get3A_320 : i32 to index
        %get3A_323 = arith.index_cast %get3A_321 : i32 to index
        %get3A_324 = arith.index_cast %mul3A_319 : i32 to index
        %get3A_325 = tpu.vector_load %arg6[%get3A_322, %get3A_323, %get3A_324] {strides = array<i32>} : memref<2x4x2048xf32, #tpu.memory_space<vmem>>, vector<1x1x16xf32>,
        %get3A_326 = vector.shape_cast %get3A_325 : vector<1x1x16xf32> to vector<16xf32>
        %mul3A_327 = arith.constant 16 : i32
        %mul3A_328 = arith.muli %scan3A_317, %mul3A_327 : i32
        %get3A_329 = arith.constant 0 : i32
        %get3A_330 = arith.index_cast %get3A_329 : i32 to index
        %get3A_331 = arith.index_cast %mul3A_328 : i32 to index
        %get3A_332 = tpu.vector_load %arg5[%get3A_330, %get3A_331] {strides = array<i32>} : memref<4x2048xf32, #tpu.memory_space<vmem>>, vector<1x16xf32>,
        %get3A_333 = vector.shape_cast %get3A_332 : vector<1x16xf32> to vector<16xf32>
        %mul3A_334 = arith.mulf %get3A_326, %get3A_333 : vector<16xf32>
        %mul3A_335 = arith.constant 16 : i32
        %mul3A_336 = arith.muli %scan3A_317, %mul3A_335 : i32
        %swap3A_337 = arith.constant 1 : i32
        %swap3A_338 = arith.constant 0 : i32
        %swap3A_339 = arith.index_cast %swap3A_337 : i32 to index
        %swap3A_340 = arith.index_cast %swap3A_338 : i32 to index
        %swap3A_341 = arith.index_cast %mul3A_336 : i32 to index
        %swap3A_342 = tpu.vector_load %arg7[%swap3A_339, %swap3A_340, %swap3A_341] {strides = array<i32>} : memref<2x4x2048xf32, #tpu.memory_space<vmem>>, vector<1x1x16xf32>,
        %swap3A_343 = vector.shape_cast %swap3A_342 : vector<1x1x16xf32> to vector<16xf32>
        %swap3A_344 = vector.shape_cast %mul3A_334 : vector<16xf32> to vector<1x1x16xf32>
        tpu.vector_store %arg7[%swap3A_339, %swap3A_340, %swap3A_341], %swap3A_344 {strides = array<i32>} : memref<2x4x2048xf32, #tpu.memory_space<vmem>>, vector<1x1x16xf32>,
        %mul3A_345 = arith.constant 16 : i32
        %mul3A_346 = arith.muli %scan3A_317, %mul3A_345 : i32
        %get3A_347 = arith.constant 1 : i32
        %get3A_348 = arith.constant 1 : i32
        %get3A_349 = arith.index_cast %get3A_347 : i32 to index
        %get3A_350 = arith.index_cast %get3A_348 : i32 to index
        %get3A_351 = arith.index_cast %mul3A_346 : i32 to index
        %get3A_352 = tpu.vector_load %arg6[%get3A_349, %get3A_350, %get3A_351] {strides = array<i32>} : memref<2x4x2048xf32, #tpu.memory_space<vmem>>, vector<1x1x16xf32>,
        %get3A_353 = vector.shape_cast %get3A_352 : vector<1x1x16xf32> to vector<16xf32>
        %mul3A_354 = arith.constant 16 : i32
        %mul3A_355 = arith.muli %scan3A_317, %mul3A_354 : i32
        %get3A_356 = arith.constant 1 : i32
        %get3A_357 = arith.index_cast %get3A_356 : i32 to index
        %get3A_358 = arith.index_cast %mul3A_355 : i32 to index
        %get3A_359 = tpu.vector_load %arg5[%get3A_357, %get3A_358] {strides = array<i32>} : memref<4x2048xf32, #tpu.memory_space<vmem>>, vector<1x16xf32>,
        %get3A_360 = vector.shape_cast %get3A_359 : vector<1x16xf32> to vector<16xf32>
        %mul3A_361 = arith.mulf %get3A_353, %get3A_360 : vector<16xf32>
        %mul3A_362 = arith.constant 16 : i32
        %mul3A_363 = arith.muli %scan3A_317, %mul3A_362 : i32
        %swap3A_364 = arith.constant 1 : i32
        %swap3A_365 = arith.constant 1 : i32
        %swap3A_366 = arith.index_cast %swap3A_364 : i32 to index
        %swap3A_367 = arith.index_cast %swap3A_365 : i32 to index
        %swap3A_368 = arith.index_cast %mul3A_363 : i32 to index
        %swap3A_369 = tpu.vector_load %arg7[%swap3A_366, %swap3A_367, %swap3A_368] {strides = array<i32>} : memref<2x4x2048xf32, #tpu.memory_space<vmem>>, vector<1x1x16xf32>,
        %swap3A_370 = vector.shape_cast %swap3A_369 : vector<1x1x16xf32> to vector<16xf32>
        %swap3A_371 = vector.shape_cast %mul3A_361 : vector<16xf32> to vector<1x1x16xf32>
        tpu.vector_store %arg7[%swap3A_366, %swap3A_367, %swap3A_368], %swap3A_371 {strides = array<i32>} : memref<2x4x2048xf32, #tpu.memory_space<vmem>>, vector<1x1x16xf32>,
        %mul3A_372 = arith.constant 16 : i32
        %mul3A_373 = arith.muli %scan3A_317, %mul3A_372 : i32
        %get3A_374 = arith.constant 1 : i32
        %get3A_375 = arith.constant 2 : i32
        %get3A_376 = arith.index_cast %get3A_374 : i32 to index
        %get3A_377 = arith.index_cast %get3A_375 : i32 to index
        %get3A_378 = arith.index_cast %mul3A_373 : i32 to index
        %get3A_379 = tpu.vector_load %arg6[%get3A_376, %get3A_377, %get3A_378] {strides = array<i32>} : memref<2x4x2048xf32, #tpu.memory_space<vmem>>, vector<1x1x16xf32>,
        %get3A_380 = vector.shape_cast %get3A_379 : vector<1x1x16xf32> to vector<16xf32>
        %mul3A_381 = arith.constant 16 : i32
        %mul3A_382 = arith.muli %scan3A_317, %mul3A_381 : i32
        %get3A_383 = arith.constant 2 : i32
        %get3A_384 = arith.index_cast %get3A_383 : i32 to index
        %get3A_385 = arith.index_cast %mul3A_382 : i32 to index
        %get3A_386 = tpu.vector_load %arg5[%get3A_384, %get3A_385] {strides = array<i32>} : memref<4x2048xf32, #tpu.memory_space<vmem>>, vector<1x16xf32>,
        %get3A_387 = vector.shape_cast %get3A_386 : vector<1x16xf32> to vector<16xf32>
        %mul3A_388 = arith.mulf %get3A_380, %get3A_387 : vector<16xf32>
        %mul3A_389 = arith.constant 16 : i32
        %mul3A_390 = arith.muli %scan3A_317, %mul3A_389 : i32
        %swap3A_391 = arith.constant 1 : i32
        %swap3A_392 = arith.constant 2 : i32
        %swap3A_393 = arith.index_cast %swap3A_391 : i32 to index
        %swap3A_394 = arith.index_cast %swap3A_392 : i32 to index
        %swap3A_395 = arith.index_cast %mul3A_390 : i32 to index
        %swap3A_396 = tpu.vector_load %arg7[%swap3A_393, %swap3A_394, %swap3A_395] {strides = array<i32>} : memref<2x4x2048xf32, #tpu.memory_space<vmem>>, vector<1x1x16xf32>,
        %swap3A_397 = vector.shape_cast %swap3A_396 : vector<1x1x16xf32> to vector<16xf32>
        %swap3A_398 = vector.shape_cast %mul3A_388 : vector<16xf32> to vector<1x1x16xf32>
        tpu.vector_store %arg7[%swap3A_393, %swap3A_394, %swap3A_395], %swap3A_398 {strides = array<i32>} : memref<2x4x2048xf32, #tpu.memory_space<vmem>>, vector<1x1x16xf32>,
        %mul3A_399 = arith.constant 16 : i32
        %mul3A_400 = arith.muli %scan3A_317, %mul3A_399 : i32
        %get3A_401 = arith.constant 1 : i32
        %get3A_402 = arith.constant 3 : i32
        %get3A_403 = arith.index_cast %get3A_401 : i32 to index
        %get3A_404 = arith.index_cast %get3A_402 : i32 to index
        %get3A_405 = arith.index_cast %mul3A_400 : i32 to index
        %get3A_406 = tpu.vector_load %arg6[%get3A_403, %get3A_404, %get3A_405] {strides = array<i32>} : memref<2x4x2048xf32, #tpu.memory_space<vmem>>, vector<1x1x16xf32>,
        %get3A_407 = vector.shape_cast %get3A_406 : vector<1x1x16xf32> to vector<16xf32>
        %mul3A_408 = arith.constant 16 : i32
        %mul3A_409 = arith.muli %scan3A_317, %mul3A_408 : i32
        %get3A_410 = arith.constant 3 : i32
        %get3A_411 = arith.index_cast %get3A_410 : i32 to index
        %get3A_412 = arith.index_cast %mul3A_409 : i32 to index
        %get3A_413 = tpu.vector_load %arg5[%get3A_411, %get3A_412] {strides = array<i32>} : memref<4x2048xf32, #tpu.memory_space<vmem>>, vector<1x16xf32>,
        %get3A_414 = vector.shape_cast %get3A_413 : vector<1x16xf32> to vector<16xf32>
        %mul3A_415 = arith.mulf %get3A_407, %get3A_414 : vector<16xf32>
        %mul3A_416 = arith.constant 16 : i32
        %mul3A_417 = arith.muli %scan3A_317, %mul3A_416 : i32
        %swap3A_418 = arith.constant 1 : i32
        %swap3A_419 = arith.constant 3 : i32
        %swap3A_420 = arith.index_cast %swap3A_418 : i32 to index
        %swap3A_421 = arith.index_cast %swap3A_419 : i32 to index
        %swap3A_422 = arith.index_cast %mul3A_417 : i32 to index
        %swap3A_423 = tpu.vector_load %arg7[%swap3A_420, %swap3A_421, %swap3A_422] {strides = array<i32>} : memref<2x4x2048xf32, #tpu.memory_space<vmem>>, vector<1x1x16xf32>,
        %swap3A_424 = vector.shape_cast %swap3A_423 : vector<1x1x16xf32> to vector<16xf32>
        %swap3A_425 = vector.shape_cast %mul3A_415 : vector<16xf32> to vector<1x1x16xf32>
        tpu.vector_store %arg7[%swap3A_420, %swap3A_421, %swap3A_422], %swap3A_425 {strides = array<i32>} : memref<2x4x2048xf32, #tpu.memory_space<vmem>>, vector<1x1x16xf32>,
        %scan3A_426 = arith.constant 2 : i32
        %scan3A_427 = arith.addi %scan3A_209, %scan3A_426 : i32
        %mul3A_428 = arith.constant 16 : i32
        %mul3A_429 = arith.muli %scan3A_427, %mul3A_428 : i32
        %get3A_430 = arith.constant 1 : i32
        %get3A_431 = arith.constant 0 : i32
        %get3A_432 = arith.index_cast %get3A_430 : i32 to index
        %get3A_433 = arith.index_cast %get3A_431 : i32 to index
        %get3A_434 = arith.index_cast %mul3A_429 : i32 to index
        %get3A_435 = tpu.vector_load %arg6[%get3A_432, %get3A_433, %get3A_434] {strides = array<i32>} : memref<2x4x2048xf32, #tpu.memory_space<vmem>>, vector<1x1x16xf32>,
        %get3A_436 = vector.shape_cast %get3A_435 : vector<1x1x16xf32> to vector<16xf32>
        %mul3A_437 = arith.constant 16 : i32
        %mul3A_438 = arith.muli %scan3A_427, %mul3A_437 : i32
        %get3A_439 = arith.constant 0 : i32
        %get3A_440 = arith.index_cast %get3A_439 : i32 to index
        %get3A_441 = arith.index_cast %mul3A_438 : i32 to index
        %get3A_442 = tpu.vector_load %arg5[%get3A_440, %get3A_441] {strides = array<i32>} : memref<4x2048xf32, #tpu.memory_space<vmem>>, vector<1x16xf32>,
        %get3A_443 = vector.shape_cast %get3A_442 : vector<1x16xf32> to vector<16xf32>
        %mul3A_444 = arith.mulf %get3A_436, %get3A_443 : vector<16xf32>
        %mul3A_445 = arith.constant 16 : i32
        %mul3A_446 = arith.muli %scan3A_427, %mul3A_445 : i32
        %swap3A_447 = arith.constant 1 : i32
        %swap3A_448 = arith.constant 0 : i32
        %swap3A_449 = arith.index_cast %swap3A_447 : i32 to index
        %swap3A_450 = arith.index_cast %swap3A_448 : i32 to index
        %swap3A_451 = arith.index_cast %mul3A_446 : i32 to index
        %swap3A_452 = tpu.vector_load %arg7[%swap3A_449, %swap3A_450, %swap3A_451] {strides = array<i32>} : memref<2x4x2048xf32, #tpu.memory_space<vmem>>, vector<1x1x16xf32>,
        %swap3A_453 = vector.shape_cast %swap3A_452 : vector<1x1x16xf32> to vector<16xf32>
        %swap3A_454 = vector.shape_cast %mul3A_444 : vector<16xf32> to vector<1x1x16xf32>
        tpu.vector_store %arg7[%swap3A_449, %swap3A_450, %swap3A_451], %swap3A_454 {strides = array<i32>} : memref<2x4x2048xf32, #tpu.memory_space<vmem>>, vector<1x1x16xf32>,
        %mul3A_455 = arith.constant 16 : i32
        %mul3A_456 = arith.muli %scan3A_427, %mul3A_455 : i32
        %get3A_457 = arith.constant 1 : i32
        %get3A_458 = arith.constant 1 : i32
        %get3A_459 = arith.index_cast %get3A_457 : i32 to index
        %get3A_460 = arith.index_cast %get3A_458 : i32 to index
        %get3A_461 = arith.index_cast %mul3A_456 : i32 to index
        %get3A_462 = tpu.vector_load %arg6[%get3A_459, %get3A_460, %get3A_461] {strides = array<i32>} : memref<2x4x2048xf32, #tpu.memory_space<vmem>>, vector<1x1x16xf32>,
        %get3A_463 = vector.shape_cast %get3A_462 : vector<1x1x16xf32> to vector<16xf32>
        %mul3A_464 = arith.constant 16 : i32
        %mul3A_465 = arith.muli %scan3A_427, %mul3A_464 : i32
        %get3A_466 = arith.constant 1 : i32
        %get3A_467 = arith.index_cast %get3A_466 : i32 to index
        %get3A_468 = arith.index_cast %mul3A_465 : i32 to index
        %get3A_469 = tpu.vector_load %arg5[%get3A_467, %get3A_468] {strides = array<i32>} : memref<4x2048xf32, #tpu.memory_space<vmem>>, vector<1x16xf32>,
        %get3A_470 = vector.shape_cast %get3A_469 : vector<1x16xf32> to vector<16xf32>
        %mul3A_471 = arith.mulf %get3A_463, %get3A_470 : vector<16xf32>
        %mul3A_472 = arith.constant 16 : i32
        %mul3A_473 = arith.muli %scan3A_427, %mul3A_472 : i32
        %swap3A_474 = arith.constant 1 : i32
        %swap3A_475 = arith.constant 1 : i32
        %swap3A_476 = arith.index_cast %swap3A_474 : i32 to index
        %swap3A_477 = arith.index_cast %swap3A_475 : i32 to index
        %swap3A_478 = arith.index_cast %mul3A_473 : i32 to index
        %swap3A_479 = tpu.vector_load %arg7[%swap3A_476, %swap3A_477, %swap3A_478] {strides = array<i32>} : memref<2x4x2048xf32, #tpu.memory_space<vmem>>, vector<1x1x16xf32>,
        %swap3A_480 = vector.shape_cast %swap3A_479 : vector<1x1x16xf32> to vector<16xf32>
        %swap3A_481 = vector.shape_cast %mul3A_471 : vector<16xf32> to vector<1x1x16xf32>
        tpu.vector_store %arg7[%swap3A_476, %swap3A_477, %swap3A_478], %swap3A_481 {strides = array<i32>} : memref<2x4x2048xf32, #tpu.memory_space<vmem>>, vector<1x1x16xf32>,
        %mul3A_482 = arith.constant 16 : i32
        %mul3A_483 = arith.muli %scan3A_427, %mul3A_482 : i32
        %get3A_484 = arith.constant 1 : i32
        %get3A_485 = arith.constant 2 : i32
        %get3A_486 = arith.index_cast %get3A_484 : i32 to index
        %get3A_487 = arith.index_cast %get3A_485 : i32 to index
        %get3A_488 = arith.index_cast %mul3A_483 : i32 to index
        %get3A_489 = tpu.vector_load %arg6[%get3A_486, %get3A_487, %get3A_488] {strides = array<i32>} : memref<2x4x2048xf32, #tpu.memory_space<vmem>>, vector<1x1x16xf32>,
        %get3A_490 = vector.shape_cast %get3A_489 : vector<1x1x16xf32> to vector<16xf32>
        %mul3A_491 = arith.constant 16 : i32
        %mul3A_492 = arith.muli %scan3A_427, %mul3A_491 : i32
        %get3A_493 = arith.constant 2 : i32
        %get3A_494 = arith.index_cast %get3A_493 : i32 to index
        %get3A_495 = arith.index_cast %mul3A_492 : i32 to index
        %get3A_496 = tpu.vector_load %arg5[%get3A_494, %get3A_495] {strides = array<i32>} : memref<4x2048xf32, #tpu.memory_space<vmem>>, vector<1x16xf32>,
        %get3A_497 = vector.shape_cast %get3A_496 : vector<1x16xf32> to vector<16xf32>
        %mul3A_498 = arith.mulf %get3A_490, %get3A_497 : vector<16xf32>
        %mul3A_499 = arith.constant 16 : i32
        %mul3A_500 = arith.muli %scan3A_427, %mul3A_499 : i32
        %swap3A_501 = arith.constant 1 : i32
        %swap3A_502 = arith.constant 2 : i32
        %swap3A_503 = arith.index_cast %swap3A_501 : i32 to index
        %swap3A_504 = arith.index_cast %swap3A_502 : i32 to index
        %swap3A_505 = arith.index_cast %mul3A_500 : i32 to index
        %swap3A_506 = tpu.vector_load %arg7[%swap3A_503, %swap3A_504, %swap3A_505] {strides = array<i32>} : memref<2x4x2048xf32, #tpu.memory_space<vmem>>, vector<1x1x16xf32>,
        %swap3A_507 = vector.shape_cast %swap3A_506 : vector<1x1x16xf32> to vector<16xf32>
        %swap3A_508 = vector.shape_cast %mul3A_498 : vector<16xf32> to vector<1x1x16xf32>
        tpu.vector_store %arg7[%swap3A_503, %swap3A_504, %swap3A_505], %swap3A_508 {strides = array<i32>} : memref<2x4x2048xf32, #tpu.memory_space<vmem>>, vector<1x1x16xf32>,
        %mul3A_509 = arith.constant 16 : i32
        %mul3A_510 = arith.muli %scan3A_427, %mul3A_509 : i32
        %get3A_511 = arith.constant 1 : i32
        %get3A_512 = arith.constant 3 : i32
        %get3A_513 = arith.index_cast %get3A_511 : i32 to index
        %get3A_514 = arith.index_cast %get3A_512 : i32 to index
        %get3A_515 = arith.index_cast %mul3A_510 : i32 to index
        %get3A_516 = tpu.vector_load %arg6[%get3A_513, %get3A_514, %get3A_515] {strides = array<i32>} : memref<2x4x2048xf32, #tpu.memory_space<vmem>>, vector<1x1x16xf32>,
        %get3A_517 = vector.shape_cast %get3A_516 : vector<1x1x16xf32> to vector<16xf32>
        %mul3A_518 = arith.constant 16 : i32
        %mul3A_519 = arith.muli %scan3A_427, %mul3A_518 : i32
        %get3A_520 = arith.constant 3 : i32
        %get3A_521 = arith.index_cast %get3A_520 : i32 to index
        %get3A_522 = arith.index_cast %mul3A_519 : i32 to index
        %get3A_523 = tpu.vector_load %arg5[%get3A_521, %get3A_522] {strides = array<i32>} : memref<4x2048xf32, #tpu.memory_space<vmem>>, vector<1x16xf32>,
        %get3A_524 = vector.shape_cast %get3A_523 : vector<1x16xf32> to vector<16xf32>
        %mul3A_525 = arith.mulf %get3A_517, %get3A_524 : vector<16xf32>
        %mul3A_526 = arith.constant 16 : i32
        %mul3A_527 = arith.muli %scan3A_427, %mul3A_526 : i32
        %swap3A_528 = arith.constant 1 : i32
        %swap3A_529 = arith.constant 3 : i32
        %swap3A_530 = arith.index_cast %swap3A_528 : i32 to index
        %swap3A_531 = arith.index_cast %swap3A_529 : i32 to index
        %swap3A_532 = arith.index_cast %mul3A_527 : i32 to index
        %swap3A_533 = tpu.vector_load %arg7[%swap3A_530, %swap3A_531, %swap3A_532] {strides = array<i32>} : memref<2x4x2048xf32, #tpu.memory_space<vmem>>, vector<1x1x16xf32>,
        %swap3A_534 = vector.shape_cast %swap3A_533 : vector<1x1x16xf32> to vector<16xf32>
        %swap3A_535 = vector.shape_cast %mul3A_525 : vector<16xf32> to vector<1x1x16xf32>
        tpu.vector_store %arg7[%swap3A_530, %swap3A_531, %swap3A_532], %swap3A_535 {strides = array<i32>} : memref<2x4x2048xf32, #tpu.memory_space<vmem>>, vector<1x1x16xf32>,
        %scan3A_536 = arith.constant 3 : i32
        %scan3A_537 = arith.addi %scan3A_209, %scan3A_536 : i32
        %mul3A_538 = arith.constant 16 : i32
        %mul3A_539 = arith.muli %scan3A_537, %mul3A_538 : i32
        %get3A_540 = arith.constant 1 : i32
        %get3A_541 = arith.constant 0 : i32
        %get3A_542 = arith.index_cast %get3A_540 : i32 to index
        %get3A_543 = arith.index_cast %get3A_541 : i32 to index
        %get3A_544 = arith.index_cast %mul3A_539 : i32 to index
        %get3A_545 = tpu.vector_load %arg6[%get3A_542, %get3A_543, %get3A_544] {strides = array<i32>} : memref<2x4x2048xf32, #tpu.memory_space<vmem>>, vector<1x1x16xf32>,
        %get3A_546 = vector.shape_cast %get3A_545 : vector<1x1x16xf32> to vector<16xf32>
        %mul3A_547 = arith.constant 16 : i32
        %mul3A_548 = arith.muli %scan3A_537, %mul3A_547 : i32
        %get3A_549 = arith.constant 0 : i32
        %get3A_550 = arith.index_cast %get3A_549 : i32 to index
        %get3A_551 = arith.index_cast %mul3A_548 : i32 to index
        %get3A_552 = tpu.vector_load %arg5[%get3A_550, %get3A_551] {strides = array<i32>} : memref<4x2048xf32, #tpu.memory_space<vmem>>, vector<1x16xf32>,
        %get3A_553 = vector.shape_cast %get3A_552 : vector<1x16xf32> to vector<16xf32>
        %mul3A_554 = arith.mulf %get3A_546, %get3A_553 : vector<16xf32>
        %mul3A_555 = arith.constant 16 : i32
        %mul3A_556 = arith.muli %scan3A_537, %mul3A_555 : i32
        %swap3A_557 = arith.constant 1 : i32
        %swap3A_558 = arith.constant 0 : i32
        %swap3A_559 = arith.index_cast %swap3A_557 : i32 to index
        %swap3A_560 = arith.index_cast %swap3A_558 : i32 to index
        %swap3A_561 = arith.index_cast %mul3A_556 : i32 to index
        %swap3A_562 = tpu.vector_load %arg7[%swap3A_559, %swap3A_560, %swap3A_561] {strides = array<i32>} : memref<2x4x2048xf32, #tpu.memory_space<vmem>>, vector<1x1x16xf32>,
        %swap3A_563 = vector.shape_cast %swap3A_562 : vector<1x1x16xf32> to vector<16xf32>
        %swap3A_564 = vector.shape_cast %mul3A_554 : vector<16xf32> to vector<1x1x16xf32>
        tpu.vector_store %arg7[%swap3A_559, %swap3A_560, %swap3A_561], %swap3A_564 {strides = array<i32>} : memref<2x4x2048xf32, #tpu.memory_space<vmem>>, vector<1x1x16xf32>,
        %mul3A_565 = arith.constant 16 : i32
        %mul3A_566 = arith.muli %scan3A_537, %mul3A_565 : i32
        %get3A_567 = arith.constant 1 : i32
        %get3A_568 = arith.constant 1 : i32
        %get3A_569 = arith.index_cast %get3A_567 : i32 to index
        %get3A_570 = arith.index_cast %get3A_568 : i32 to index
        %get3A_571 = arith.index_cast %mul3A_566 : i32 to index
        %get3A_572 = tpu.vector_load %arg6[%get3A_569, %get3A_570, %get3A_571] {strides = array<i32>} : memref<2x4x2048xf32, #tpu.memory_space<vmem>>, vector<1x1x16xf32>,
        %get3A_573 = vector.shape_cast %get3A_572 : vector<1x1x16xf32> to vector<16xf32>
        %mul3A_574 = arith.constant 16 : i32
        %mul3A_575 = arith.muli %scan3A_537, %mul3A_574 : i32
        %get3A_576 = arith.constant 1 : i32
        %get3A_577 = arith.index_cast %get3A_576 : i32 to index
        %get3A_578 = arith.index_cast %mul3A_575 : i32 to index
        %get3A_579 = tpu.vector_load %arg5[%get3A_577, %get3A_578] {strides = array<i32>} : memref<4x2048xf32, #tpu.memory_space<vmem>>, vector<1x16xf32>,
        %get3A_580 = vector.shape_cast %get3A_579 : vector<1x16xf32> to vector<16xf32>
        %mul3A_581 = arith.mulf %get3A_573, %get3A_580 : vector<16xf32>
        %mul3A_582 = arith.constant 16 : i32
        %mul3A_583 = arith.muli %scan3A_537, %mul3A_582 : i32
        %swap3A_584 = arith.constant 1 : i32
        %swap3A_585 = arith.constant 1 : i32
        %swap3A_586 = arith.index_cast %swap3A_584 : i32 to index
        %swap3A_587 = arith.index_cast %swap3A_585 : i32 to index
        %swap3A_588 = arith.index_cast %mul3A_583 : i32 to index
        %swap3A_589 = tpu.vector_load %arg7[%swap3A_586, %swap3A_587, %swap3A_588] {strides = array<i32>} : memref<2x4x2048xf32, #tpu.memory_space<vmem>>, vector<1x1x16xf32>,
        %swap3A_590 = vector.shape_cast %swap3A_589 : vector<1x1x16xf32> to vector<16xf32>
        %swap3A_591 = vector.shape_cast %mul3A_581 : vector<16xf32> to vector<1x1x16xf32>
        tpu.vector_store %arg7[%swap3A_586, %swap3A_587, %swap3A_588], %swap3A_591 {strides = array<i32>} : memref<2x4x2048xf32, #tpu.memory_space<vmem>>, vector<1x1x16xf32>,
        %mul3A_592 = arith.constant 16 : i32
        %mul3A_593 = arith.muli %scan3A_537, %mul3A_592 : i32
        %get3A_594 = arith.constant 1 : i32
        %get3A_595 = arith.constant 2 : i32
        %get3A_596 = arith.index_cast %get3A_594 : i32 to index
        %get3A_597 = arith.index_cast %get3A_595 : i32 to index
        %get3A_598 = arith.index_cast %mul3A_593 : i32 to index
        %get3A_599 = tpu.vector_load %arg6[%get3A_596, %get3A_597, %get3A_598] {strides = array<i32>} : memref<2x4x2048xf32, #tpu.memory_space<vmem>>, vector<1x1x16xf32>,
        %get3A_600 = vector.shape_cast %get3A_599 : vector<1x1x16xf32> to vector<16xf32>
        %mul3A_601 = arith.constant 16 : i32
        %mul3A_602 = arith.muli %scan3A_537, %mul3A_601 : i32
        %get3A_603 = arith.constant 2 : i32
        %get3A_604 = arith.index_cast %get3A_603 : i32 to index
        %get3A_605 = arith.index_cast %mul3A_602 : i32 to index
        %get3A_606 = tpu.vector_load %arg5[%get3A_604, %get3A_605] {strides = array<i32>} : memref<4x2048xf32, #tpu.memory_space<vmem>>, vector<1x16xf32>,
        %get3A_607 = vector.shape_cast %get3A_606 : vector<1x16xf32> to vector<16xf32>
        %mul3A_608 = arith.mulf %get3A_600, %get3A_607 : vector<16xf32>
        %mul3A_609 = arith.constant 16 : i32
        %mul3A_610 = arith.muli %scan3A_537, %mul3A_609 : i32
        %swap3A_611 = arith.constant 1 : i32
        %swap3A_612 = arith.constant 2 : i32
        %swap3A_613 = arith.index_cast %swap3A_611 : i32 to index
        %swap3A_614 = arith.index_cast %swap3A_612 : i32 to index
        %swap3A_615 = arith.index_cast %mul3A_610 : i32 to index
        %swap3A_616 = tpu.vector_load %arg7[%swap3A_613, %swap3A_614, %swap3A_615] {strides = array<i32>} : memref<2x4x2048xf32, #tpu.memory_space<vmem>>, vector<1x1x16xf32>,
        %swap3A_617 = vector.shape_cast %swap3A_616 : vector<1x1x16xf32> to vector<16xf32>
        %swap3A_618 = vector.shape_cast %mul3A_608 : vector<16xf32> to vector<1x1x16xf32>
        tpu.vector_store %arg7[%swap3A_613, %swap3A_614, %swap3A_615], %swap3A_618 {strides = array<i32>} : memref<2x4x2048xf32, #tpu.memory_space<vmem>>, vector<1x1x16xf32>,
        %mul3A_619 = arith.constant 16 : i32
        %mul3A_620 = arith.muli %scan3A_537, %mul3A_619 : i32
        %get3A_621 = arith.constant 1 : i32
        %get3A_622 = arith.constant 3 : i32
        %get3A_623 = arith.index_cast %get3A_621 : i32 to index
        %get3A_624 = arith.index_cast %get3A_622 : i32 to index
        %get3A_625 = arith.index_cast %mul3A_620 : i32 to index
        %get3A_626 = tpu.vector_load %arg6[%get3A_623, %get3A_624, %get3A_625] {strides = array<i32>} : memref<2x4x2048xf32, #tpu.memory_space<vmem>>, vector<1x1x16xf32>,
        %get3A_627 = vector.shape_cast %get3A_626 : vector<1x1x16xf32> to vector<16xf32>
        %mul3A_628 = arith.constant 16 : i32
        %mul3A_629 = arith.muli %scan3A_537, %mul3A_628 : i32
        %get3A_630 = arith.constant 3 : i32
        %get3A_631 = arith.index_cast %get3A_630 : i32 to index
        %get3A_632 = arith.index_cast %mul3A_629 : i32 to index
        %get3A_633 = tpu.vector_load %arg5[%get3A_631, %get3A_632] {strides = array<i32>} : memref<4x2048xf32, #tpu.memory_space<vmem>>, vector<1x16xf32>,
        %get3A_634 = vector.shape_cast %get3A_633 : vector<1x16xf32> to vector<16xf32>
        %mul3A_635 = arith.mulf %get3A_627, %get3A_634 : vector<16xf32>
        %mul3A_636 = arith.constant 16 : i32
        %mul3A_637 = arith.muli %scan3A_537, %mul3A_636 : i32
        %swap3A_638 = arith.constant 1 : i32
        %swap3A_639 = arith.constant 3 : i32
        %swap3A_640 = arith.index_cast %swap3A_638 : i32 to index
        %swap3A_641 = arith.index_cast %swap3A_639 : i32 to index
        %swap3A_642 = arith.index_cast %mul3A_637 : i32 to index
        %swap3A_643 = tpu.vector_load %arg7[%swap3A_640, %swap3A_641, %swap3A_642] {strides = array<i32>} : memref<2x4x2048xf32, #tpu.memory_space<vmem>>, vector<1x1x16xf32>,
        %swap3A_644 = vector.shape_cast %swap3A_643 : vector<1x1x16xf32> to vector<16xf32>
        %swap3A_645 = vector.shape_cast %mul3A_635 : vector<16xf32> to vector<1x1x16xf32>
        tpu.vector_store %arg7[%swap3A_640, %swap3A_641, %swap3A_642], %swap3A_645 {strides = array<i32>} : memref<2x4x2048xf32, #tpu.memory_space<vmem>>, vector<1x1x16xf32>,
      }
      %scan3A_183 = arith.constant 128 : i32
      %dma_start3A_184 = arith.constant 1 : i32
      %dma_start3A_185 = arith.constant 1 : i32
      %dma_start3A_186 = arith.constant 0 : i32
      %dma_start3A_187 = arith.constant 0 : i32
      %dma_start3A_188 = tpu.memref_slice %arg7[%dma_start3A_184, %dma_start3A_186, %dma_start3A_187] : memref<2x4x2048xf32, #tpu.memory_space<vmem>> -> memref<1x4x2048xf32, #tpu.memory_space<vmem>>
      %dma_start3A_189 = tpu.memref_squeeze %dma_start3A_188 : memref<1x4x2048xf32, #tpu.memory_space<vmem>> -> memref<4x2048xf32, #tpu.memory_space<vmem>>
      %dma_start3A_190 = arith.constant 0 : i32
      %dma_start3A_191 = tpu.memref_slice %arg4[%add3A_154, %mul3A_2, %dma_start3A_190] : memref<64x128x2048xf32, #tpu.memory_space<hbm>> -> memref<1x4x2048xf32, #tpu.memory_space<hbm>>
      %dma_start3A_192 = tpu.memref_squeeze %dma_start3A_191 : memref<1x4x2048xf32, #tpu.memory_space<hbm>> -> memref<4x2048xf32, #tpu.memory_space<hbm>>
      %dma_start3A_193 = tpu.memref_slice %arg9[%dma_start3A_185] : memref<2x!tpu.dma_semaphore, #tpu.memory_space<semaphore_mem>> -> memref<1x!tpu.dma_semaphore, #tpu.memory_space<semaphore_mem>>
      %dma_start3A_194 = tpu.memref_squeeze %dma_start3A_193 : memref<1x!tpu.dma_semaphore, #tpu.memory_space<semaphore_mem>> -> memref<!tpu.dma_semaphore, #tpu.memory_space<semaphore_mem>>
      %dma_start3A_195 = arith.constant 0 : i32
      %dma_start3A_196 = tpu.memref_slice %arg4[%add3A_154, %mul3A_2, %dma_start3A_195] : memref<64x128x2048xf32, #tpu.memory_space<hbm>> -> memref<1x4x2048xf32, #tpu.memory_space<hbm>>
      %dma_start3A_197 = tpu.memref_squeeze %dma_start3A_196 : memref<1x4x2048xf32, #tpu.memory_space<hbm>> -> memref<4x2048xf32, #tpu.memory_space<hbm>>
      %dma_start3A_198 = arith.constant 0 : i32
      %dma_start3A_199 = arith.constant 0 : i32
      %dma_start3A_200 = tpu.memref_slice %arg7[%dma_start3A_184, %dma_start3A_198, %dma_start3A_199] : memref<2x4x2048xf32, #tpu.memory_space<vmem>> -> memref<1x4x2048xf32, #tpu.memory_space<vmem>>
      %dma_start3A_201 = tpu.memref_squeeze %dma_start3A_200 : memref<1x4x2048xf32, #tpu.memory_space<vmem>> -> memref<4x2048xf32, #tpu.memory_space<vmem>>
      tpu.enqueue_dma source(%dma_start3A_201 : memref<4x2048xf32, #tpu.memory_space<vmem>>) target(%dma_start3A_197 : memref<4x2048xf32, #tpu.memory_space<hbm>>) target_semaphore(%dma_start3A_194 : memref<!tpu.dma_semaphore, #tpu.memory_space<semaphore_mem>>)
      %add3A_202 = arith.constant 2 : i32
      %add3A_203 = arith.addi %add3A_154, %add3A_202 : i32
      %lt3A_204 = arith.constant 64 : i32
      %lt3A_205 = arith.cmpi slt, %add3A_203, %lt3A_204 : i32
      %convert_element_type3A_206 = arith.extui %lt3A_205 : i1 to i32
      %cond3A_207 = arith.constant 0 : i32
      %cond3A_208 = arith.cmpi ne, %convert_element_type3A_206, %cond3A_207 : i32
      scf.if %cond3A_208 {
        %add3A_209 = arith.constant 2 : i32
        %add3A_210 = arith.addi %add3A_154, %add3A_209 : i32
        %dma_start3A_211 = arith.constant 1 : i32
        %dma_start3A_212 = arith.constant 1 : i32
        %dma_start3A_213 = arith.constant 0 : i32
        %dma_start3A_214 = arith.constant 0 : i32
        %dma_start3A_215 = tpu.memref_slice %arg6[%dma_start3A_211, %dma_start3A_213, %dma_start3A_214] : memref<2x4x2048xf32, #tpu.memory_space<vmem>> -> memref<1x4x2048xf32, #tpu.memory_space<vmem>>
        %dma_start3A_216 = tpu.memref_squeeze %dma_start3A_215 : memref<1x4x2048xf32, #tpu.memory_space<vmem>> -> memref<4x2048xf32, #tpu.memory_space<vmem>>
        %dma_start3A_217 = arith.constant 0 : i32
        %dma_start3A_218 = tpu.memref_slice %arg3[%add3A_210, %mul3A_2, %dma_start3A_217] : memref<64x128x2048xf32, #tpu.memory_space<hbm>> -> memref<1x4x2048xf32, #tpu.memory_space<hbm>>
        %dma_start3A_219 = tpu.memref_squeeze %dma_start3A_218 : memref<1x4x2048xf32, #tpu.memory_space<hbm>> -> memref<4x2048xf32, #tpu.memory_space<hbm>>
        %dma_start3A_220 = tpu.memref_slice %arg8[%dma_start3A_212] : memref<2x!tpu.dma_semaphore, #tpu.memory_space<semaphore_mem>> -> memref<1x!tpu.dma_semaphore, #tpu.memory_space<semaphore_mem>>
        %dma_start3A_221 = tpu.memref_squeeze %dma_start3A_220 : memref<1x!tpu.dma_semaphore, #tpu.memory_space<semaphore_mem>> -> memref<!tpu.dma_semaphore, #tpu.memory_space<semaphore_mem>>
        %dma_start3A_222 = arith.constant 0 : i32
        %dma_start3A_223 = arith.constant 0 : i32
        %dma_start3A_224 = tpu.memref_slice %arg6[%dma_start3A_211, %dma_start3A_222, %dma_start3A_223] : memref<2x4x2048xf32, #tpu.memory_space<vmem>> -> memref<1x4x2048xf32, #tpu.memory_space<vmem>>
        %dma_start3A_225 = tpu.memref_squeeze %dma_start3A_224 : memref<1x4x2048xf32, #tpu.memory_space<vmem>> -> memref<4x2048xf32, #tpu.memory_space<vmem>>
        %dma_start3A_226 = arith.constant 0 : i32
        %dma_start3A_227 = tpu.memref_slice %arg3[%add3A_210, %mul3A_2, %dma_start3A_226] : memref<64x128x2048xf32, #tpu.memory_space<hbm>> -> memref<1x4x2048xf32, #tpu.memory_space<hbm>>
        %dma_start3A_228 = tpu.memref_squeeze %dma_start3A_227 : memref<1x4x2048xf32, #tpu.memory_space<hbm>> -> memref<4x2048xf32, #tpu.memory_space<hbm>>
        tpu.enqueue_dma source(%dma_start3A_228 : memref<4x2048xf32, #tpu.memory_space<hbm>>) target(%dma_start3A_225 : memref<4x2048xf32, #tpu.memory_space<vmem>>) target_semaphore(%dma_start3A_221 : memref<!tpu.dma_semaphore, #tpu.memory_space<semaphore_mem>>)
      } else {
      }
    }
    %scan3A_57 = arith.constant 32 : i32
    %dma_wait3A_58 = arith.constant 0 : i32
    %dma_wait3A_59 = arith.constant 62 : i32
    %dma_wait3A_60 = arith.constant 0 : i32
    %dma_wait3A_61 = arith.constant 0 : i32
    %dma_wait3A_62 = arith.constant 0 : i32
    %dma_wait3A_63 = tpu.memref_slice %arg7[%dma_wait3A_58, %dma_wait3A_61, %dma_wait3A_62] : memref<2x4x2048xf32, #tpu.memory_space<vmem>> -> memref<1x4x2048xf32, #tpu.memory_space<vmem>>
    %dma_wait3A_64 = tpu.memref_squeeze %dma_wait3A_63 : memref<1x4x2048xf32, #tpu.memory_space<vmem>> -> memref<4x2048xf32, #tpu.memory_space<vmem>>
    %dma_wait3A_65 = arith.constant 0 : i32
    %dma_wait3A_66 = tpu.memref_slice %arg4[%dma_wait3A_59, %mul3A_2, %dma_wait3A_65] : memref<64x128x2048xf32, #tpu.memory_space<hbm>> -> memref<1x4x2048xf32, #tpu.memory_space<hbm>>
    %dma_wait3A_67 = tpu.memref_squeeze %dma_wait3A_66 : memref<1x4x2048xf32, #tpu.memory_space<hbm>> -> memref<4x2048xf32, #tpu.memory_space<hbm>>
    %dma_wait3A_68 = tpu.memref_slice %arg9[%dma_wait3A_60] : memref<2x!tpu.dma_semaphore, #tpu.memory_space<semaphore_mem>> -> memref<1x!tpu.dma_semaphore, #tpu.memory_space<semaphore_mem>>
    %dma_wait3A_69 = tpu.memref_squeeze %dma_wait3A_68 : memref<1x!tpu.dma_semaphore, #tpu.memory_space<semaphore_mem>> -> memref<!tpu.dma_semaphore, #tpu.memory_space<semaphore_mem>>
    %dma_wait3A_70 = arith.constant 0 : i32
    %dma_wait3A_71 = tpu.memref_slice %arg4[%dma_wait3A_59, %mul3A_2, %dma_wait3A_70] : memref<64x128x2048xf32, #tpu.memory_space<hbm>> -> memref<1x4x2048xf32, #tpu.memory_space<hbm>>
    %dma_wait3A_72 = tpu.memref_squeeze %dma_wait3A_71 : memref<1x4x2048xf32, #tpu.memory_space<hbm>> -> memref<4x2048xf32, #tpu.memory_space<hbm>>
    %dma_wait3A_73 = arith.constant 0 : i32
    %dma_wait3A_74 = arith.constant 0 : i32
    %dma_wait3A_75 = tpu.memref_slice %arg7[%dma_wait3A_58, %dma_wait3A_73, %dma_wait3A_74] : memref<2x4x2048xf32, #tpu.memory_space<vmem>> -> memref<1x4x2048xf32, #tpu.memory_space<vmem>>
    %dma_wait3A_76 = tpu.memref_squeeze %dma_wait3A_75 : memref<1x4x2048xf32, #tpu.memory_space<vmem>> -> memref<4x2048xf32, #tpu.memory_space<vmem>>
    tpu.wait_dma2 semaphore(%dma_wait3A_69 : memref<!tpu.dma_semaphore, #tpu.memory_space<semaphore_mem>>) src(%dma_wait3A_76 : memref<4x2048xf32, #tpu.memory_space<vmem>>) dst(%dma_wait3A_72 : memref<4x2048xf32, #tpu.memory_space<hbm>>)
    %dma_wait3A_77 = arith.constant 1 : i32
    %dma_wait3A_78 = arith.constant 63 : i32
    %dma_wait3A_79 = arith.constant 1 : i32
    %dma_wait3A_80 = arith.constant 0 : i32
    %dma_wait3A_81 = arith.constant 0 : i32
    %dma_wait3A_82 = tpu.memref_slice %arg7[%dma_wait3A_77, %dma_wait3A_80, %dma_wait3A_81] : memref<2x4x2048xf32, #tpu.memory_space<vmem>> -> memref<1x4x2048xf32, #tpu.memory_space<vmem>>
    %dma_wait3A_83 = tpu.memref_squeeze %dma_wait3A_82 : memref<1x4x2048xf32, #tpu.memory_space<vmem>> -> memref<4x2048xf32, #tpu.memory_space<vmem>>
    %dma_wait3A_84 = arith.constant 0 : i32
    %dma_wait3A_85 = tpu.memref_slice %arg4[%dma_wait3A_78, %mul3A_2, %dma_wait3A_84] : memref<64x128x2048xf32, #tpu.memory_space<hbm>> -> memref<1x4x2048xf32, #tpu.memory_space<hbm>>
    %dma_wait3A_86 = tpu.memref_squeeze %dma_wait3A_85 : memref<1x4x2048xf32, #tpu.memory_space<hbm>> -> memref<4x2048xf32, #tpu.memory_space<hbm>>
    %dma_wait3A_87 = tpu.memref_slice %arg9[%dma_wait3A_79] : memref<2x!tpu.dma_semaphore, #tpu.memory_space<semaphore_mem>> -> memref<1x!tpu.dma_semaphore, #tpu.memory_space<semaphore_mem>>
    %dma_wait3A_88 = tpu.memref_squeeze %dma_wait3A_87 : memref<1x!tpu.dma_semaphore, #tpu.memory_space<semaphore_mem>> -> memref<!tpu.dma_semaphore, #tpu.memory_space<semaphore_mem>>
    %dma_wait3A_89 = arith.constant 0 : i32
    %dma_wait3A_90 = tpu.memref_slice %arg4[%dma_wait3A_78, %mul3A_2, %dma_wait3A_89] : memref<64x128x2048xf32, #tpu.memory_space<hbm>> -> memref<1x4x2048xf32, #tpu.memory_space<hbm>>
    %dma_wait3A_91 = tpu.memref_squeeze %dma_wait3A_90 : memref<1x4x2048xf32, #tpu.memory_space<hbm>> -> memref<4x2048xf32, #tpu.memory_space<hbm>>
    %dma_wait3A_92 = arith.constant 0 : i32
    %dma_wait3A_93 = arith.constant 0 : i32
    %dma_wait3A_94 = tpu.memref_slice %arg7[%dma_wait3A_77, %dma_wait3A_92, %dma_wait3A_93] : memref<2x4x2048xf32, #tpu.memory_space<vmem>> -> memref<1x4x2048xf32, #tpu.memory_space<vmem>>
    %dma_wait3A_95 = tpu.memref_squeeze %dma_wait3A_94 : memref<1x4x2048xf32, #tpu.memory_space<vmem>> -> memref<4x2048xf32, #tpu.memory_space<vmem>>
    tpu.wait_dma2 semaphore(%dma_wait3A_88 : memref<!tpu.dma_semaphore, #tpu.memory_space<semaphore_mem>>) src(%dma_wait3A_95 : memref<4x2048xf32, #tpu.memory_space<vmem>>) dst(%dma_wait3A_91 : memref<4x2048xf32, #tpu.memory_space<hbm>>)
    return
  }
}

module attributes {stable_mosaic.version = 14 : i64} {
  func.func @_scale_kernel(%arg0: memref<128x2048xf32, #tpu.memory_space<vmem>>, %arg1: memref<2048x2048xf32, #tpu.memory_space<vmem>>, %arg2: memref<128x2048xf32, #tpu.memory_space<vmem>>) attributes {dimension_semantics = [], scalar_prefetch = 0 : i64, scratch_operands = 0 : i64, tpu.core_type = #tpu.core_type<tc>} {
    %get3A = arith.constant 0 : index
    %get3A_0 = arith.constant 0 : index
    %get3A_1 = vector.load %arg0[%get3A, %get3A_0] : memref<128x2048xf32, #tpu.memory_space<vmem>>, vector<128x2048xf32>
    %get3A_2 = arith.constant 0 : index
    %get3A_3 = arith.constant 0 : index
    %get3A_4 = vector.load %arg1[%get3A_2, %get3A_3] : memref<2048x2048xf32, #tpu.memory_space<vmem>>, vector<2048x2048xf32>
    %dot_general3A = arith.constant dense<0.000000e+00> : vector<128x2048xf32>
    %dot_general3A_5 = tpu.matmul %get3A_1, %get3A_4, %dot_general3A {dimension_numbers = #tpu.dot_dimension_numbers<[1], [1], [0], [0], [0, 0, 1, 0], [], []>, transpose_lhs_hint = false} : vector<128x2048xf32>, vector<2048x2048xf32>, vector<128x2048xf32> -> vector<128x2048xf32>
    %logistic3A = arith.negf %dot_general3A_5 : vector<128x2048xf32>
    %logistic3A_6 = math.exp %logistic3A : vector<128x2048xf32>
    %logistic3A_7 = arith.constant 1.000000e+00 : f32
    %logistic3A_8 = vector.broadcast %logistic3A_7 : f32 to vector<128x2048xf32>
    %logistic3A_9 = arith.addf %logistic3A_8, %logistic3A_6 : vector<128x2048xf32>
    %logistic3A_10 = arith.divf %logistic3A_8, %logistic3A_9 : vector<128x2048xf32>
    %add3A = arith.constant 1.000000e+00 : f32
    %add3A_11 = vector.broadcast %add3A : f32 to vector<128x2048xf32>
    %add3A_12 = arith.addf %add3A_11, %logistic3A_10 : vector<128x2048xf32>
    %swap3A = arith.constant 0 : index
    %swap3A_13 = arith.constant 0 : index
    %swap3A_14 = vector.load %arg2[%swap3A, %swap3A_13] : memref<128x2048xf32, #tpu.memory_space<vmem>>, vector<128x2048xf32>
    tpu.vector_store %arg2[%swap3A, %swap3A_13], %add3A_12 {strides = array<i32>} : memref<128x2048xf32, #tpu.memory_space<vmem>>, vector<128x2048xf32>,
    return
  }
}

</mosaic_0001>

<sc_bundles>
// kernel: kernel.4.cloned.1.call-start
scs
__scs_entry_jumppad:
0x0: {  	(pc) =	sbr.rel $0x88, $3  }
0x1: {  	(tag) =	ssettag $0x0;
	lr =	simm.s32 $0x1  }
0x2: {  	[smem:$0x3F9E] =	sst lr;
	_ =	strace $0xD0000000  }
0x3: {  	_ = 	snop  }
0x4: {  	_ = 	snop  }
0x5: {  	_ = 	snop  }
0x6: {  	_ = 	snop  }
0x7: {  	_ = 	snop  }
__scs_overlays_trampoline_lowered:
0x8: {  	[smem:$0x3FAD] =	sst s0  }
0x9: {  	[smem:$0x3FAE] =	sst s1  }
0xa: {  	[smem:$0x3FAF] =	sst s2  }
0xb: {  	[smem:$0x3FB0] =	sst s3  }
0xc: {  	[smem:$0x3FB1] =	sst s4  }
0xd: {  	[smem:$0x3FB2] =	sst s5  }
0xe: {  	[smem:$0x3FB3] =	sst s6  }
0xf: {  	[smem:$0x3FB4] =	sst s7  }
0x10: {  	[smem:$0x3FB5] =	sst s8  }
0x11: {  	[smem:$0x3FB6] =	sst s9;
	s0 =	simm.s32 @!p0 $0x0  }
0x12: {  	s1 =	sld [smem:$0x3F9C];
	s0 =	simm.s32 @p0 $0x1  }
0x13: {  	[smem:$0x3FB7] =	sst s0;
	s0 =	simm.s32 @!p1 $0x0  }
0x14: {  	s2 =	sld [smem:$0x3F9B];
	s0 =	simm.s32 @p1 $0x1  }
0x15: {  	[smem:$0x3FB8] =	sst s0;
	s0 =	simm.s32 @!p2 $0x0  }
0x16: {  	s3 =	sld [smem:$0x3FDB];
	s0 =	simm.s32 @p2 $0x1  }
0x17: {  	s4 =	simm.s32 $0x1BF5;
	[smem:$0x3FBA] =	sst s0  }
0x18: {  	s0 =	sld [smem:$0x3F9D];
	_ =	swait.ge [sflag:s4], $0x0  }
0x19: {  	s7 =	sld [smem:$0x3F9E]  }
0x1a: {  	s8 =	sadd.s32 $0xFFFFE003, lr  }
0x1b: {  	s9 =	sadd.s32 $0xFFFFFEF7, lr;
	s5 =	simm.s32 $0xFFFFFFFF;
	p2 =	slt.u32 s8, $0xFFFFF086  }
0x1c: {  	p1 =	slt.u32 s9, $0xF7A;
	s5 =	simm.s32 @!p2 $0x0  }
0x1d: {  	s5 =	simm.s32 @p1 $0x1;
	p0 =	seq.s32 s7, s2  }
0x1e: {  	s7 =	smul.u32 @!p0 $0xF7A, s2;
	p2 =	seq.s32 @!p0 s5, $0x0  }
0x1f: {  	s9 =	smul.u32 $0xF7A, s1;
	s8 =	simm.s32 @!p0 $0x1BF5;
	p2 =	por !p2, p0  }
0x20: {  	[sflag:s8] =	ssyncset.s32 @!p0 $0xFFFFF086;
	s6 =	sadd.s32 @!p0 s3, s7;
	s7 =	simm.s32 @!p0 $0x108  }
0x21: {  	s3 =	sadd.s32 s3, s9;
	s6 =	sadd.s32 @!p0 $0x88, s6;
	s7 =	simm.s32 @p2 $0x1082  }
0x22: {  	[simem:s7], [sflag:s8] =	dma.local @!p0 [hbm:s6], $0xF7A  }
0x23: {  	s9 =	sor.u32 $0xD0000000, s2;
	s6 =	simm.s32 $0x108;
	_ =	swait.ge @!p0 [sflag:s8], $0x0  }
0x24: {  	s3 =	sadd.s32 $0x88, s3;
	s6 =	simm.s32 @!p1 $0x1082;
	[sflag:s4] =	ssyncset.s32 $0xFFFFF086  }
0x25: {  	[simem:s6], [sflag:s4] =	dma.local [hbm:s3], $0xF7A  }
0x26: {  	[smem:$0x3F9E] =	sst s1;
	(tag) =	ssettag s2;
	_ =	strace s9  }
0x27: {  	s1 =	sld [smem:$0x3FAE]  }
0x28: {  	s2 =	sld [smem:$0x3FAF]  }
0x29: {  	s4 =	sld [smem:$0x3FB1]  }
0x2a: {  	p0 =	seq.s32 s5, $0x0;
	s5 =	sld [smem:$0x3FB2]  }
0x2b: {  	s6 =	sld [smem:$0x3FB3]  }
0x2c: {  	s7 =	sld [smem:$0x3FB4]  }
0x2d: {  	s3 =	simm.s32 $0x108;
	s8 =	sld [smem:$0x3FB5]  }
0x2e: {  	s3 =	simm.s32 @!p0 $0x1082;
	s9 =	sld [smem:$0x3FB6]  }
0x2f: {  	lr =	sadd.s32 s0, s3;
	s0 =	sld [smem:$0x3FAD]  }
0x30: {  	s3 =	sld [smem:$0x3FB0]  }
0x31: {  	[smem:$0x3FB9] =	sst s10  }
0x32: {  	s10 =	sld [smem:$0x3FB7];
	_ =	sdelay $0x3  }
0x33: {  	p0 =	seq.s32 s10, $0x1;
	s10 =	sld [smem:$0x3FB9];
	_ =	sdelay $0x3  }
0x34: {  	[smem:$0x3FB9] =	sst s10  }
0x35: {  	s10 =	sld [smem:$0x3FB8];
	_ =	sdelay $0x3  }
0x36: {  	p1 =	seq.s32 s10, $0x1;
	s10 =	sld [smem:$0x3FB9];
	_ =	sdelay $0x3  }
0x37: {  	[smem:$0x3FB9] =	sst s10  }
0x38: {  	s10 =	sld [smem:$0x3FBA]  }
0x39: {  	_ = 	snop;
	(pc) =	sbr.ind lr, $3  }
0x3a: {  	_ = 	snop  }
0x3b: {  	_ = 	snop  }
0x3c: {  	p2 =	seq.s32 s10, $0x1;
	s10 =	sld [smem:$0x3FB9]  }
0x3d: {  	_ =	shalt  }
0x3e: {  	_ =	shalt  }
0x3f: {  	_ =	shalt  }
0x40: {  	_ =	shalt  }
0x41: {  	_ =	shalt  }
0x42: {  	_ =	shalt  }
0x43: {  	_ =	shalt  }
0x44: {  	_ =	shalt  }
0x45: {  	_ =	shalt  }
0x46: {  	_ =	shalt  }
0x47: {  	_ =	shalt  }
0x48: {  	_ =	shalt  }
0x49: {  	_ =	shalt  }
0x4a: {  	_ =	shalt  }
0x4b: {  	_ =	shalt  }
0x4c: {  	_ =	shalt  }
0x4d: {  	_ =	shalt  }
0x4e: {  	_ =	shalt  }
0x4f: {  	_ =	shalt  }
0x50: {  	_ =	shalt  }
0x51: {  	_ =	shalt  }
0x52: {  	_ =	shalt  }
0x53: {  	_ =	shalt  }
0x54: {  	_ =	shalt  }
0x55: {  	_ =	shalt  }
0x56: {  	_ =	shalt  }
0x57: {  	_ =	shalt  }
0x58: {  	_ =	shalt  }
0x59: {  	_ =	shalt  }
0x5a: {  	_ =	shalt  }
0x5b: {  	_ =	shalt  }
0x5c: {  	_ =	shalt  }
0x5d: {  	_ =	shalt  }
0x5e: {  	_ =	shalt  }
0x5f: {  	_ =	shalt  }
0x60: {  	_ =	shalt  }
0x61: {  	_ =	shalt  }
0x62: {  	_ =	shalt  }
0x63: {  	_ =	shalt  }
0x64: {  	_ =	shalt  }
0x65: {  	_ =	shalt  }
0x66: {  	_ =	shalt  }
0x67: {  	_ =	shalt  }
0x68: {  	_ =	shalt  }
0x69: {  	_ =	shalt  }
0x6a: {  	_ =	shalt  }
0x6b: {  	_ =	shalt  }
0x6c: {  	_ =	shalt  }
0x6d: {  	_ =	shalt  }
0x6e: {  	_ =	shalt  }
0x6f: {  	_ =	shalt  }
0x70: {  	_ =	shalt  }
0x71: {  	_ =	shalt  }
0x72: {  	_ =	shalt  }
0x73: {  	_ =	shalt  }
0x74: {  	_ =	shalt  }
0x75: {  	_ =	shalt  }
0x76: {  	_ =	shalt  }
0x77: {  	_ =	shalt  }
0x78: {  	_ =	shalt  }
0x79: {  	_ =	shalt  }
0x7a: {  	_ =	shalt  }
0x7b: {  	_ =	shalt  }
0x7c: {  	_ =	shalt  }
0x7d: {  	_ =	shalt  }
0x7e: {  	_ =	shalt  }
0x7f: {  	_ =	shalt  }
0x80: {  	_ =	shalt  }
0x81: {  	_ =	shalt  }
0x82: {  	_ =	shalt  }
0x83: {  	_ =	shalt  }
0x84: {  	_ =	shalt  }
0x85: {  	_ =	shalt  }
0x86: {  	_ =	shalt  }
0x87: {  	_ =	shalt  }
.Lfunc_end0:
.L_simem_size_0:
called_computation_lowered:
.L_overlay_start_0:
0x88: {  	s2 =	sld [smem:$0x3FD9]  }
0x89: {  	s3 =	sld [smem:$0x3FFE];
	_ =	sdelay $0x1  }
0x8a: {  	s1 =	srdreg.scid  }
0x8b: {  	s0 =	sand.u32 $0x1, s1  }
0x8c: {  	s17 =	sshll.u32 s0, $0xA;
	s2 =	sadd.s32 s3, s2  }
0x8d: {  	s2 =	sadd.s32 s2, s17  }
0x8e: {  	[smem:$0x3FC5] =	sst s2  }
0x8f: {  	_ = 	snop  }
0x90: {  	s2 =	sld [smem:$0x3FC9]  }
0x91: {  	s18 =	sld [smem:$0x3FD0];
	(tm) =	ssettm $0x1  }
0x92: {  	s4 =	sld [smem:$0x3FFB];
	_ =	sdelay $0x3  }
0x93: {  	_ =	strace s4  }
0x94: {  	s4 =	sld [smem:$0x3FFC];
	_ =	sdelay $0x3  }
0x95: {  	_ =	strace s4  }
0x96: {  	s4 =	sld [smem:$0x3FFD];
	_ =	sdelay $0x3  }
0x97: {  	_ =	strace s4  }
0x98: {  	_ =	strace $0x8FFFFFFF  }
0x99: {  	s19 =	sld [smem:$0x3FDB];
	_ =	sdelay $0x1  }
0x9a: {  	s5 =	simm.s32 $_scs_section_size  }
0x9b: {  	s6 =	simm.s32 $_size__tile_overlayer_lowered;
	s7 =	simm.s32 $_tile_overlayer_lowered  }
0x9c: {  	s22 =	simm.s32 $0x1BFF;
	s21 =	sshll.u32 s7, $0x1;
	s4 =	sadd.s32 s5, s19  }
0x9d: {  	s8 =	simm.s32 $0x0;
	s20 =	sshll.u32 s6, $0x1;
	s6 =	sadd.s32 s21, s4  }
0x9e: {  	[timem:s8], [sflag:s22] =	dma.local [hbm:s6], s20  }
0x9f: {  	_ =	swait.ge [sflag:s22], s20  }
0xa0: {  	s5 =	ssub.s32 $0x0, s20;
	[sflag:s22] =	ssyncset.done $0x0  }
0xa1: {  	[sflag:s22] =	ssyncadd.s32 s5;
	_ =	sdelay $0x1  }
0xa2: {  	s23 =	simm.s32 $0x1B8B  }
0xa3: {  	_ =	swait.ge [sflag:s23], $0x1  }
0xa4: {  	[sflag:s23] =	ssyncset.done $0x0  }
0xa5: {  	s25 =	simm.s32 $0x1B8E;
	s24 =	sld [smem:$0x3FFE];
	[sflag:s23] =	ssyncadd.s32 $0xFFFFFFFF  }
0xa6: {  	s26 =	simm.s32 $execute0_lowered;
	[smem:$0x3FD2] =	sst s25  }
0xa7: {  	s6 =	sshll.u32 s26, $0x1;
	_ =	strace $0x80000046;
	[dreg:$0x1] =	wrdreg $0xFFFFFFFF  }
0xa8: {  	s28 =	simm.s32 $_size_execute0_lowered;
	s4 =	sadd.s32 s4, s6;
	[dreg:$0x0] =	wrdreg $0x0  }
0xa9: {  	s6 =	sshll.u32 s28, $0x1;
	[dreg:$0x2] =	wrdreg s4  }
0xaa: {  	[dreg:$0x3] =	wrdreg s6  }
0xab: {  	[dreg:$0x4] =	wrdreg $0xC0  }
0xac: {  	_ =	task [dreg:s8], $0x5FFFF  }
0xad: {  	[dreg:$0x1] =	wrdreg $0xFFFFFFFF  }
0xae: {  	[dreg:$0x0] =	wrdreg $0x60  }
0xaf: {  	[dreg:$0x2] =	wrdreg s24  }
0xb0: {  	[dreg:$0x3] =	wrdreg s2  }
0xb1: {  	[dreg:$0x4] =	wrdreg s18  }
0xb2: {  	[dreg:$0x5] =	wrdreg $0x9  }
0xb3: {  	_ =	task.clear_ibuf [dreg:s8], $0x6FFFF;
	_ =	strace $0x90000046  }
0xb4: {  	s29 =	simm.s32 $0x9;
	_ =	strace $0x80000048  }
0xb5: {  	_ =	swait.ge [sflag:s29], $0x1  }
0xb6: {  	[sflag:s29] =	ssyncadd.s32 $0xFFFFFFFF  }
0xb7: {  	_ =	strace $0x90000048  }
0xb8: {  	_ =	sfence  }
0xb9: {  	s30 =	sld [smem:$0x0];
	_ =	sdelay $0x2  }
0xba: {  	s31 =	sshll.u32 s1, $0xD;
	s1 =	sshrl.u32 s1, $0x2  }
0xbb: {  	s3 =	sand.u32 $0x4000, s31;
	s1 =	sadd.s32 s1, s30  }
0xbc: {  	s0 =	sor.u32 s3, s0;
	s1 =	sshll.u32 s1, $0x11  }
0xbd: {  	s0 =	sor.u32 s1, s0  }
0xbe: {  	s0 =	sadd.s32 $0x8F2B, s0  }
0xbf: {  	[sflag:s0] =	ssyncadd.remote.s32 $0x1  }
0xc0: {  	_ =	sfence.sel $0xFFFF  }
0xc1: {  	[dreg:$0x0] =	wrdreg $0xFFFFFFFF;
	(pc) =	sbr.abs _section_cstart, $3  }
0xc2: {  	[dreg:$0x1] =	wrdreg $0xFFFFFFFF  }
0xc3: {  	_ =	task.clear_ibuf [dreg:s8], $0x2FFFF;
	_ =	strace $0x9FFFFFFF  }
0xc4: {  	(tm) =	ssettm $0x7FFFFFFF  }
0xc5: {  	_ =	shalt  }
tec
execute0_lowered:
.L_overlay_start_1:
0x0: {  	(tag) =	ssettag $0x1  }
0x1: {  	s0 =	rddreg [dreg:$0x0]  }
0x2: {  	s2 =	rddreg [dreg:$0x1]  }
0x3: {  	s3 =	rddreg [dreg:$0x2]  }
0x4: {  	s1 =	srdreg.scid;
	s4 =	stileid.u32;
	s6 =	simm.s32 $0x0  }
0x5: {  	s13 =	simm.s32 $0x200;
	s14 =	simm.s32 $0x400;
	s15 =	simm.s32 $0x1  }
0x6: {  	s16 =	simm.s32 $0x2000;
	s17 =	simm.s32 $0x4000;
	s18 =	simm.s32 $0x6000  }
0x7: {  	s19 =	simm.s32 $0x2;
	s20 =	simm.s32 $0x4;
	s21 =	simm.s32 $0x8000  }
0x8: {  	s22 =	simm.s32 $0x3;
	s23 =	simm.s32 $0x0;
	s1 =	sand.u32 $0x1, s1  }
0x9: {  	s4 =	sshll.u32 s4, $0xE;
	s5 =	sshll.u32 s1, $0x9;
	s1 =	ssub.s32 $0x2, s1  }
0xa: {  	[smem:$0x7FF] =	sst s6;
	s5 =	sor.u32 s5, s4;
	s7 =	sshrl.u32 s1, $0x1  }
.Ltmp0:
0xb: {  	s4 =	sshrl.u32 s5, $0x3;
	s1 =	ssub.s32 s1, s7;
	(pc) =	sbr.rel .LBB2_1-.Ltmp0, $4  }
0xc: {  	_ =	strace $0x80000047;
	s0 =	sadd.s32 s4, s0;
	s31 =	smax.u32 s1, $0x1  }
0xd: {  	s6 =	sadd.s32 s2, s4;
	s0 =	sadd.s32 $0xA00, s0;
	[dreg:$0x6] =	wrdreg s31  }
0xe: {  	s11 =	sadd.s32 $0x8000, s3;
	s30 =	sadd.s32 $0x8000, s6;
	[dreg:$0x4] =	wrdreg s0  }
0xf: {  	s9 =	sor.u32 $0x80000, s5;
	s10 =	sor.u32 $0xC0000, s5;
	[dreg:$0x5] =	wrdreg s30  }
.LBB2_12:
0x10: {  	_ =	swait.ge [sflag:s22], $0x2000  }
0x11: {  	[sflag:s22] =	ssyncset.done $0x0  }
0x12: {  	[sflag:s22] =	ssyncadd.s32 $0xFFFFE000  }
0x13: {  	_ =	swait.ge [sflag:s20], $0x2000  }
0x14: {  	s23 =	sadd.s32 $0x1, s23;
	s0 =	rddreg [dreg:$0x6]  }
0x15: {  	p0 =	sne.s32 s23, s0  }
.Ltmp1:
0x16: {  	_ = 	snop;
	(pc) =	sbr.rel @!p0 .LBB2_13-.Ltmp1, $3  }
0x17: {  	_ =	sdelay $0x1  }
0x18: {  	[sflag:s20] =	ssyncset.done $0x0  }
0x19: {  	[sflag:s20] =	ssyncadd.s32 $0xFFFFE000  }
.LBB2_1:
0x1a: {  	s0 =	simm.s32 $0x0;
	s1 =	rddreg [dreg:$0x4]  }
0x1b: {  	[tilespmem:s0], [sflag:$0x1] =	stream.strided.gather [hbm4b:s1+s13], $0x2000, s14, s13, $0x38;
	[tilespmem:$0xA000] =	vst v63  }
0x1c: {  	_ =	swait.ge [sflag:s15], $0x2000  }
0x1d: {  	[sflag:s15] =	ssyncset.done $0x0  }
0x1e: {  	[sflag:s15] =	ssyncadd.s32 $0xFFFFE000  }
0x1f: {  	[tilespmem:s16], [sflag:$0x1] =	stream.strided.gather [hbm4b:s6+s13], $0x2000, s14, s13, $0x38;
	[tilespmem:$0xA000] =	vst v63  }
0x20: {  	s24 =	simm.s32 $0x0;
	s31 =	rddreg [dreg:$0x5]  }
0x21: {  	[tilespmem:s17], [sflag:$0x2] =	stream.strided.gather [hbm4b:s31+s13], $0x2000, s14, s13, $0x38;
	[tilespmem:$0xA000] =	vst v63  }
.LBB2_2:
0x22: {  	_ =	swait.ge [sflag:s15], $0x2000  }
0x23: {  	p0 =	seq.s32 s24, $0x0;
	[sflag:s15] =	ssyncset.done $0x0  }
0x24: {  	s0 =	simm.s32 @!p0 $0x3;
	[sflag:s15] =	ssyncadd.s32 $0xFFFFE000  }
0x25: {  	s26 =	simm.s32 $0x0;
	_ =	swait.ge @!p0 [sflag:s0], $0x2000  }
0x26: {  	s1 =	sand.u32 $0x40, s26;
	s4 =	sand.u32 $0x1E00, s26;
	[sflag:s0] =	ssyncset.done @!p0 $0x0  }
0x27: {  	s28 =	sor.u32 s1, s4;
	[sflag:s0] =	ssyncadd.s32 @!p0 $0xFFFFE000  }
0x28: {  	v0 =	vld [tilespmem:s28+$0x2080]  }
0x29: {  	v1 =	vld [tilespmem:s28+$0x0]  }
0x2a: {  	v2 =	vld [tilespmem:s28+$0x80]  }
0x2b: {  	v3 =	vld [tilespmem:s28+$0x2000];
	_ =	sdelay $0x2  }
0x2c: {  	p1 =	por $0x0, $0x0;
	s0 =	simm.s32 $0x1  }
0x2d: {  	s0 =	simm.s32 @!p1 $0x0;
	v0 =	vmul.f32 v2, v0  }
0x2e: {  	s0 =	sshll.u32 s0, $0x6;
	v1 =	vmul.f32 v1, v3  }
0x2f: {  	s0 =	sadd.s32 $0x0, s0;
	[tilespmem:s28+$0x6080] =	vst v0  }
0x30: {  	s25 =	sor.u32 $0x100, s0;
	[tilespmem:s28+$0x6000] =	vst v1  }
0x31: {  	v0 =	vld [tilespmem:s25+$0x2000]  }
0x32: {  	v1 =	vld [tilespmem:s25+$0x0];
	_ =	sdelay $0x4  }
0x33: {  	v0 =	vmul.f32 v1, v0;
	_ =	sdelay $0x1  }
0x34: {  	s4 =	sor.u32 $0x180, s0;
	[tilespmem:s25+$0x6000] =	vst v0  }
0x35: {  	v0 =	vld [tilespmem:s4+$0x2000]  }
0x36: {  	v1 =	vld [tilespmem:s4+$0x0];
	_ =	sdelay $0x4  }
0x37: {  	v0 =	vmul.f32 v1, v0;
	_ =	sdelay $0x1  }
0x38: {  	[tilespmem:s4+$0x6000] =	vst v0  }
0x39: {  	v0 =	vld [tilespmem:s28+$0x2090]  }
0x3a: {  	v1 =	vld [tilespmem:s28+$0x10]  }
0x3b: {  	v2 =	vld [tilespmem:s28+$0x2010]  }
0x3c: {  	v3 =	vld [tilespmem:s28+$0x90];
	_ =	sdelay $0x3  }
0x3d: {  	v1 =	vmul.f32 v1, v2  }
0x3e: {  	v0 =	vmul.f32 v3, v0  }
0x3f: {  	s7 =	sadd.s32 $0x10, s0;
	[tilespmem:s28+$0x6010] =	vst v1  }
0x40: {  	s8 =	sor.u32 $0x100, s7;
	[tilespmem:s28+$0x6090] =	vst v0  }
0x41: {  	v0 =	vld [tilespmem:s8+$0x2000]  }
0x42: {  	v1 =	vld [tilespmem:s8+$0x0];
	_ =	sdelay $0x4  }
0x43: {  	v0 =	vmul.f32 v1, v0;
	_ =	sdelay $0x1  }
0x44: {  	s1 =	sor.u32 $0x180, s7;
	[tilespmem:s8+$0x6000] =	vst v0  }
0x45: {  	v0 =	vld [tilespmem:s1+$0x2000]  }
0x46: {  	v1 =	vld [tilespmem:s1+$0x0];
	_ =	sdelay $0x4  }
0x47: {  	v0 =	vmul.f32 v1, v0;
	_ =	sdelay $0x1  }
0x48: {  	[tilespmem:s1+$0x6000] =	vst v0  }
0x49: {  	v0 =	vld [tilespmem:s28+$0xA0]  }
0x4a: {  	v1 =	vld [tilespmem:s28+$0x20]  }
0x4b: {  	v2 =	vld [tilespmem:s28+$0x2020]  }
0x4c: {  	v3 =	vld [tilespmem:s28+$0x20A0];
	_ =	sdelay $0x3  }
0x4d: {  	v1 =	vmul.f32 v1, v2  }
0x4e: {  	v0 =	vmul.f32 v0, v3  }
0x4f: {  	s12 =	sadd.s32 $0x20, s0;
	[tilespmem:s28+$0x6020] =	vst v1  }
0x50: {  	s25 =	sor.u32 $0x100, s12;
	[tilespmem:s28+$0x60A0] =	vst v0  }
0x51: {  	v0 =	vld [tilespmem:s25+$0x2000]  }
0x52: {  	v1 =	vld [tilespmem:s25+$0x0];
	_ =	sdelay $0x4  }
0x53: {  	v0 =	vmul.f32 v1, v0;
	_ =	sdelay $0x1  }
0x54: {  	s1 =	sor.u32 $0x180, s12;
	[tilespmem:s25+$0x6000] =	vst v0  }
0x55: {  	v0 =	vld [tilespmem:s1+$0x2000]  }
0x56: {  	v1 =	vld [tilespmem:s1+$0x0];
	_ =	sdelay $0x4  }
0x57: {  	v0 =	vmul.f32 v1, v0;
	_ =	sdelay $0x1  }
0x58: {  	[tilespmem:s1+$0x6000] =	vst v0  }
0x59: {  	v2 =	vld [tilespmem:s28+$0xB0]  }
0x5a: {  	v3 =	vld [tilespmem:s28+$0x20B0]  }
0x5b: {  	v0 =	vld [tilespmem:s28+$0x30]  }
0x5c: {  	v1 =	vld [tilespmem:s28+$0x2030];
	_ =	sdelay $0x1  }
0x5d: {  	s30 =	simm.s32 $0x0;
	s25 =	sshll.u32 s24, $0x13  }
0x5e: {  	s31 =	simm.s32 $0x40;
	s0 =	sadd.s32 $0x30, s0;
	s29 =	sor.u32 s25, s5;
	v2 =	vmul.f32 v2, v3  }
.LBB2_3:
0x5f: {  	s30 =	sadd.s32 $0x4, s30;
	s26 =	sadd.s32 $0x100, s26;
	p1 =	por !p1, !p1  }
0x60: {  	v0 =	vmul.f32 v0, v1;
	p2 =	slt.u32 s30, $0x7C;
	[tilespmem:s28+$0x60B0] =	vst v2;
	_ =	sdelay $0x1  }
0x61: {  	s1 =	sor.u32 $0x100, s0;
	[tilespmem:s28+$0x6030] =	vst v0  }
0x62: {  	v0 =	vld [tilespmem:s1+$0x2000]  }
0x63: {  	v1 =	vld [tilespmem:s1+$0x0];
	_ =	sdelay $0x4  }
0x64: {  	v0 =	vmul.f32 v1, v0;
	_ =	sdelay $0x1  }
0x65: {  	s0 =	sor.u32 $0x180, s0;
	[tilespmem:s1+$0x6000] =	vst v0  }
0x66: {  	v0 =	vld [tilespmem:s0+$0x2000]  }
0x67: {  	v1 =	vld [tilespmem:s0+$0x0];
	_ =	sdelay $0x4  }
0x68: {  	v0 =	vmul.f32 v1, v0  }
0x69: {  	s4 =	sand.u32 $0x1E00, s26;
	s1 =	sand.u32 $0x40, s31  }
0x6a: {  	s28 =	sor.u32 s1, s4;
	[tilespmem:s0+$0x6000] =	vst v0  }
0x6b: {  	v0 =	vld [tilespmem:s28+$0x2080]  }
0x6c: {  	v1 =	vld [tilespmem:s28+$0x0]  }
0x6d: {  	v2 =	vld [tilespmem:s28+$0x80]  }
0x6e: {  	v3 =	vld [tilespmem:s28+$0x2000];
	_ =	sdelay $0x2  }
0x6f: {  	s0 =	simm.s32 $0x1  }
0x70: {  	s0 =	simm.s32 @!p1 $0x0;
	v0 =	vmul.f32 v2, v0  }
0x71: {  	s0 =	sshll.u32 s0, $0x6;
	v1 =	vmul.f32 v1, v3  }
0x72: {  	s7 =	sadd.s32 s0, s26;
	[tilespmem:s28+$0x6080] =	vst v0  }
0x73: {  	s8 =	sor.u32 $0x100, s7;
	s4 =	sadd.s32 $0x10, s7;
	s1 =	sadd.s32 $0x20, s7;
	[tilespmem:s28+$0x6000] =	vst v1  }
0x74: {  	s0 =	sadd.s32 $0x30, s7;
	v0 =	vld [tilespmem:s8+$0x2000]  }
0x75: {  	v1 =	vld [tilespmem:s8+$0x0];
	_ =	sdelay $0x4  }
0x76: {  	v0 =	vmul.f32 v1, v0;
	_ =	sdelay $0x1  }
0x77: {  	s7 =	sor.u32 $0x180, s7;
	[tilespmem:s8+$0x6000] =	vst v0  }
0x78: {  	v0 =	vld [tilespmem:s7+$0x2000]  }
0x79: {  	v1 =	vld [tilespmem:s7+$0x0];
	_ =	sdelay $0x4  }
0x7a: {  	v0 =	vmul.f32 v1, v0;
	_ =	sdelay $0x1  }
0x7b: {  	[tilespmem:s7+$0x6000] =	vst v0  }
0x7c: {  	v0 =	vld [tilespmem:s28+$0x2090]  }
0x7d: {  	v1 =	vld [tilespmem:s28+$0x10]  }
0x7e: {  	v2 =	vld [tilespmem:s28+$0x2010]  }
0x7f: {  	v3 =	vld [tilespmem:s28+$0x90];
	_ =	sdelay $0x3  }
0x80: {  	v1 =	vmul.f32 v1, v2  }
0x81: {  	v0 =	vmul.f32 v3, v0  }
0x82: {  	[tilespmem:s28+$0x6010] =	vst v1  }
0x83: {  	s7 =	sor.u32 $0x100, s4;
	[tilespmem:s28+$0x6090] =	vst v0  }
0x84: {  	v0 =	vld [tilespmem:s7+$0x2000]  }
0x85: {  	v1 =	vld [tilespmem:s7+$0x0];
	_ =	sdelay $0x4  }
0x86: {  	v0 =	vmul.f32 v1, v0;
	_ =	sdelay $0x1  }
0x87: {  	s4 =	sor.u32 $0x180, s4;
	[tilespmem:s7+$0x6000] =	vst v0  }
0x88: {  	v0 =	vld [tilespmem:s4+$0x2000]  }
0x89: {  	v1 =	vld [tilespmem:s4+$0x0];
	_ =	sdelay $0x4  }
0x8a: {  	v0 =	vmul.f32 v1, v0;
	_ =	sdelay $0x1  }
0x8b: {  	[tilespmem:s4+$0x6000] =	vst v0  }
0x8c: {  	v0 =	vld [tilespmem:s28+$0xA0]  }
0x8d: {  	v1 =	vld [tilespmem:s28+$0x20]  }
0x8e: {  	v2 =	vld [tilespmem:s28+$0x2020]  }
0x8f: {  	v3 =	vld [tilespmem:s28+$0x20A0];
	_ =	sdelay $0x3  }
0x90: {  	v1 =	vmul.f32 v1, v2  }
0x91: {  	v0 =	vmul.f32 v0, v3  }
0x92: {  	[tilespmem:s28+$0x6020] =	vst v1  }
0x93: {  	s4 =	sor.u32 $0x100, s1;
	[tilespmem:s28+$0x60A0] =	vst v0  }
0x94: {  	v0 =	vld [tilespmem:s4+$0x2000]  }
0x95: {  	v1 =	vld [tilespmem:s4+$0x0];
	_ =	sdelay $0x4  }
0x96: {  	v0 =	vmul.f32 v1, v0;
	_ =	sdelay $0x1  }
0x97: {  	s1 =	sor.u32 $0x180, s1;
	[tilespmem:s4+$0x6000] =	vst v0  }
0x98: {  	v0 =	vld [tilespmem:s1+$0x2000]  }
0x99: {  	v1 =	vld [tilespmem:s1+$0x0];
	_ =	sdelay $0x4  }
0x9a: {  	v0 =	vmul.f32 v1, v0;
	_ =	sdelay $0x1  }
0x9b: {  	[tilespmem:s1+$0x6000] =	vst v0  }
0x9c: {  	v0 =	vld [tilespmem:s28+$0x30]  }
0x9d: {  	v2 =	vld [tilespmem:s28+$0xB0]  }
0x9e: {  	v3 =	vld [tilespmem:s28+$0x20B0]  }
.Ltmp2:
0x9f: {  	v1 =	vld [tilespmem:s28+$0x2030];
	(pc) =	sbr.rel @p2 .LBB2_3-.Ltmp2, $2  }
0xa0: {  	_ =	sdelay $0x2  }
0xa1: {  	s31 =	sadd.s32 $0x40, s31;
	v2 =	vmul.f32 v2, v3  }
0xa2: {  	v0 =	vmul.f32 v0, v1  }
0xa3: {  	[tilespmem:s28+$0x60B0] =	vst v2  }
0xa4: {  	s1 =	sor.u32 $0x100, s0;
	[tilespmem:s28+$0x6030] =	vst v0  }
0xa5: {  	v0 =	vld [tilespmem:s1+$0x2000]  }
0xa6: {  	v62 =	vld [tilespmem:s1+$0x0];
	_ =	sdelay $0x4  }
0xa7: {  	v0 =	vmul.f32 v62, v0;
	_ =	sdelay $0x1  }
0xa8: {  	s30 =	sor.u32 $0x180, s0;
	[tilespmem:s1+$0x6000] =	vst v0  }
0xa9: {  	v0 =	vld [tilespmem:s30+$0x2000]  }
0xaa: {  	v63 =	vld [tilespmem:s30+$0x0];
	_ =	sdelay $0x2  }
0xab: {  	p1 =	sne.s32 s24, $0x1F  }
.Ltmp3:
0xac: {  	_ = 	snop;
	(pc) =	sbr.rel @p1 .LBB2_6-.Ltmp3, $4  }
0xad: {  	v0 =	vmul.f32 v63, v0  }
0xae: {  	s26 =	sshrl.u32 s29, $0x3  }
0xaf: {  	s31 =	sadd.s32 s3, s26;
	[tilespmem:s30+$0x6000] =	vst v0  }
0xb0: {  	[hbm4b:s31+s13] =	stream.strided.scatter [tilespmem:s18], [sflag:$0x3], $0x2000, s14, s13, $0x38;
	[tilespmem:$0xA000] =	vst v63  }
.Ltmp4:
0xb1: {  	(pc) =	sbr.rel .LBB2_7-.Ltmp4, $4  }
0xb2: {  	_ = 	snop  }
0xb3: {  	_ =	swait.ge [sflag:s19], $0x2000  }
0xb4: {  	[sflag:s19] =	ssyncset.done $0x0  }
0xb5: {  	[sflag:s19] =	ssyncadd.s32 $0xFFFFE000  }
.LBB2_6:
0xb6: {  	s0 =	sadd.s32 s9, s25  }
0xb7: {  	s0 =	sshrl.u32 s0, $0x3  }
.Ltmp5:
0xb8: {  	s0 =	sadd.s32 s2, s0;
	(pc) =	sbr.rel @p0 .LBB2_8-.Ltmp5, $4  }
0xb9: {  	[tilespmem:s16], [sflag:$0x1] =	stream.strided.gather [hbm4b:s0+s13], $0x2000, s14, s13, $0x38;
	[tilespmem:$0xA000] =	vst v63  }
0xba: {  	_ =	swait.ge [sflag:s19], $0x2000  }
0xbb: {  	[sflag:s19] =	ssyncset.done $0x0  }
0xbc: {  	[sflag:s19] =	ssyncadd.s32 $0xFFFFE000  }
.LBB2_7:
0xbd: {  	_ =	swait.ge [sflag:s20], $0x2000  }
0xbe: {  	[sflag:s20] =	ssyncset.done $0x0  }
0xbf: {  	[sflag:s20] =	ssyncadd.s32 $0xFFFFE000  }
.LBB2_8:
0xc0: {  	s28 =	simm.s32 $0x0  }
0xc1: {  	s0 =	sand.u32 $0x40, s28;
	s1 =	sand.u32 $0x1E00, s28  }
0xc2: {  	s29 =	sor.u32 s0, s1  }
0xc3: {  	v0 =	vld [tilespmem:s29+$0x4080]  }
0xc4: {  	v1 =	vld [tilespmem:s29+$0x0]  }
0xc5: {  	v2 =	vld [tilespmem:s29+$0x80]  }
0xc6: {  	v3 =	vld [tilespmem:s29+$0x4000];
	_ =	sdelay $0x2  }
0xc7: {  	p0 =	por $0x0, $0x0;
	s0 =	simm.s32 $0x1  }
0xc8: {  	s0 =	simm.s32 @!p0 $0x0;
	v0 =	vmul.f32 v2, v0  }
0xc9: {  	s0 =	sshll.u32 s0, $0x6;
	v1 =	vmul.f32 v1, v3  }
0xca: {  	s0 =	sadd.s32 $0x0, s0;
	[tilespmem:s29+$0x8080] =	vst v0  }
0xcb: {  	s12 =	sor.u32 $0x2100, s0;
	[tilespmem:s29+$0x8000] =	vst v1  }
0xcc: {  	s4 =	sor.u32 $0x100, s0;
	v0 =	vld [tilespmem:s12+$0x2000]  }
0xcd: {  	v1 =	vld [tilespmem:s4+$0x0];
	_ =	sdelay $0x4  }
0xce: {  	v0 =	vmul.f32 v1, v0;
	_ =	sdelay $0x1  }
0xcf: {  	s7 =	sor.u32 $0x2180, s0;
	[tilespmem:s12+$0x6000] =	vst v0  }
0xd0: {  	s8 =	sor.u32 $0x180, s0;
	v0 =	vld [tilespmem:s7+$0x2000]  }
0xd1: {  	v1 =	vld [tilespmem:s8+$0x0];
	_ =	sdelay $0x4  }
0xd2: {  	v0 =	vmul.f32 v1, v0;
	_ =	sdelay $0x1  }
0xd3: {  	[tilespmem:s7+$0x6000] =	vst v0  }
0xd4: {  	v0 =	vld [tilespmem:s29+$0x4010]  }
0xd5: {  	v1 =	vld [tilespmem:s29+$0x10]  }
0xd6: {  	v2 =	vld [tilespmem:s29+$0x90]  }
0xd7: {  	v3 =	vld [tilespmem:s29+$0x4090];
	_ =	sdelay $0x3  }
0xd8: {  	v0 =	vmul.f32 v1, v0  }
0xd9: {  	v1 =	vmul.f32 v2, v3  }
0xda: {  	s1 =	sadd.s32 $0x10, s0;
	[tilespmem:s29+$0x8010] =	vst v0  }
0xdb: {  	s12 =	sor.u32 $0x2100, s1;
	[tilespmem:s29+$0x8090] =	vst v1  }
0xdc: {  	s7 =	sor.u32 $0x100, s1;
	v0 =	vld [tilespmem:s12+$0x2000]  }
0xdd: {  	v1 =	vld [tilespmem:s7+$0x0];
	_ =	sdelay $0x4  }
0xde: {  	v0 =	vmul.f32 v1, v0;
	_ =	sdelay $0x1  }
0xdf: {  	s8 =	sor.u32 $0x2180, s1;
	[tilespmem:s12+$0x6000] =	vst v0  }
0xe0: {  	s1 =	sor.u32 $0x180, s1;
	v0 =	vld [tilespmem:s8+$0x2000]  }
0xe1: {  	v1 =	vld [tilespmem:s1+$0x0];
	_ =	sdelay $0x4  }
0xe2: {  	v0 =	vmul.f32 v1, v0;
	_ =	sdelay $0x1  }
0xe3: {  	[tilespmem:s8+$0x6000] =	vst v0  }
0xe4: {  	v0 =	vld [tilespmem:s29+$0x20]  }
0xe5: {  	v1 =	vld [tilespmem:s29+$0xA0]  }
0xe6: {  	v2 =	vld [tilespmem:s29+$0x4020]  }
0xe7: {  	v3 =	vld [tilespmem:s29+$0x40A0];
	_ =	sdelay $0x3  }
0xe8: {  	v0 =	vmul.f32 v0, v2  }
0xe9: {  	v1 =	vmul.f32 v1, v3  }
0xea: {  	s1 =	sadd.s32 $0x20, s0;
	[tilespmem:s29+$0x8020] =	vst v0  }
0xeb: {  	s12 =	sor.u32 $0x2100, s1;
	[tilespmem:s29+$0x80A0] =	vst v1  }
0xec: {  	s8 =	sor.u32 $0x100, s1;
	v0 =	vld [tilespmem:s12+$0x2000]  }
0xed: {  	v1 =	vld [tilespmem:s8+$0x0];
	_ =	sdelay $0x4  }
0xee: {  	v0 =	vmul.f32 v1, v0;
	_ =	sdelay $0x1  }
0xef: {  	[tilespmem:s12+$0x6000] =	vst v0;
	s12 =	sor.u32 $0x2180, s1  }
0xf0: {  	s1 =	sor.u32 $0x180, s1;
	v0 =	vld [tilespmem:s12+$0x2000]  }
0xf1: {  	v1 =	vld [tilespmem:s1+$0x0];
	_ =	sdelay $0x4  }
0xf2: {  	v0 =	vmul.f32 v1, v0;
	_ =	sdelay $0x1  }
0xf3: {  	[tilespmem:s12+$0x6000] =	vst v0  }
0xf4: {  	v2 =	vld [tilespmem:s29+$0x30]  }
0xf5: {  	v3 =	vld [tilespmem:s29+$0x4030]  }
0xf6: {  	v0 =	vld [tilespmem:s29+$0xB0]  }
0xf7: {  	v1 =	vld [tilespmem:s29+$0x40B0];
	_ =	sdelay $0x2  }
0xf8: {  	s30 =	simm.s32 $0x0;
	s31 =	simm.s32 $0x40;
	s0 =	sadd.s32 $0x30, s0;
	v2 =	vmul.f32 v2, v3  }
.LBB2_9:
0xf9: {  	s30 =	sadd.s32 $0x4, s30;
	s28 =	sadd.s32 $0x100, s28;
	p0 =	por !p0, !p0  }
0xfa: {  	v0 =	vmul.f32 v0, v1;
	p1 =	slt.u32 s30, $0x7C;
	[tilespmem:s29+$0x8030] =	vst v2;
	_ =	sdelay $0x1  }
0xfb: {  	s1 =	sor.u32 $0x2100, s0;
	s4 =	sor.u32 $0x100, s0;
	[tilespmem:s29+$0x80B0] =	vst v0  }
0xfc: {  	v0 =	vld [tilespmem:s1+$0x2000]  }
0xfd: {  	v1 =	vld [tilespmem:s4+$0x0];
	_ =	sdelay $0x4  }
0xfe: {  	v0 =	vmul.f32 v1, v0;
	_ =	sdelay $0x1  }
0xff: {  	[tilespmem:s1+$0x6000] =	vst v0;
	s1 =	sor.u32 $0x2180, s0;
	s0 =	sor.u32 $0x180, s0  }
0x100: {  	v0 =	vld [tilespmem:s1+$0x2000]  }
0x101: {  	v1 =	vld [tilespmem:s0+$0x0];
	_ =	sdelay $0x4  }
0x102: {  	v0 =	vmul.f32 v1, v0  }
0x103: {  	s4 =	sand.u32 $0x1E00, s28;
	s0 =	sand.u32 $0x40, s31  }
0x104: {  	s29 =	sor.u32 s0, s4;
	[tilespmem:s1+$0x6000] =	vst v0  }
0x105: {  	v0 =	vld [tilespmem:s29+$0x4080]  }
0x106: {  	v1 =	vld [tilespmem:s29+$0x0]  }
0x107: {  	v2 =	vld [tilespmem:s29+$0x80]  }
0x108: {  	v3 =	vld [tilespmem:s29+$0x4000];
	_ =	sdelay $0x2  }
0x109: {  	s0 =	simm.s32 $0x1  }
0x10a: {  	s0 =	simm.s32 @!p0 $0x0;
	v0 =	vmul.f32 v2, v0  }
0x10b: {  	s0 =	sshll.u32 s0, $0x6;
	v1 =	vmul.f32 v1, v3  }
0x10c: {  	s7 =	sadd.s32 s0, s28;
	[tilespmem:s29+$0x8080] =	vst v0  }
0x10d: {  	s8 =	sor.u32 $0x2100, s7;
	s4 =	sadd.s32 $0x10, s7;
	s1 =	sadd.s32 $0x20, s7;
	[tilespmem:s29+$0x8000] =	vst v1  }
0x10e: {  	s12 =	sor.u32 $0x100, s7;
	s0 =	sadd.s32 $0x30, s7;
	v0 =	vld [tilespmem:s8+$0x2000]  }
0x10f: {  	v1 =	vld [tilespmem:s12+$0x0];
	_ =	sdelay $0x4  }
0x110: {  	v0 =	vmul.f32 v1, v0;
	_ =	sdelay $0x1  }
0x111: {  	[tilespmem:s8+$0x6000] =	vst v0;
	s8 =	sor.u32 $0x2180, s7  }
0x112: {  	s7 =	sor.u32 $0x180, s7;
	v0 =	vld [tilespmem:s8+$0x2000]  }
0x113: {  	v1 =	vld [tilespmem:s7+$0x0];
	_ =	sdelay $0x4  }
0x114: {  	v0 =	vmul.f32 v1, v0;
	_ =	sdelay $0x1  }
0x115: {  	[tilespmem:s8+$0x6000] =	vst v0  }
0x116: {  	v0 =	vld [tilespmem:s29+$0x4010]  }
0x117: {  	v1 =	vld [tilespmem:s29+$0x10]  }
0x118: {  	v2 =	vld [tilespmem:s29+$0x90]  }
0x119: {  	v3 =	vld [tilespmem:s29+$0x4090];
	_ =	sdelay $0x2  }
0x11a: {  	v0 =	vmul.f32 v1, v0;
	_ =	sdelay $0x1  }
0x11b: {  	[tilespmem:s29+$0x8010] =	vst v0;
	v0 =	vmul.f32 v2, v3;
	_ =	sdelay $0x1  }
0x11c: {  	s7 =	sor.u32 $0x2100, s4;
	[tilespmem:s29+$0x8090] =	vst v0  }
0x11d: {  	s8 =	sor.u32 $0x100, s4;
	v0 =	vld [tilespmem:s7+$0x2000]  }
0x11e: {  	v1 =	vld [tilespmem:s8+$0x0];
	_ =	sdelay $0x4  }
0x11f: {  	v0 =	vmul.f32 v1, v0;
	_ =	sdelay $0x1  }
0x120: {  	[tilespmem:s7+$0x6000] =	vst v0;
	s7 =	sor.u32 $0x2180, s4  }
0x121: {  	s4 =	sor.u32 $0x180, s4;
	v0 =	vld [tilespmem:s7+$0x2000]  }
0x122: {  	v1 =	vld [tilespmem:s4+$0x0];
	_ =	sdelay $0x4  }
0x123: {  	v0 =	vmul.f32 v1, v0;
	_ =	sdelay $0x1  }
0x124: {  	[tilespmem:s7+$0x6000] =	vst v0  }
0x125: {  	v0 =	vld [tilespmem:s29+$0x20]  }
0x126: {  	v1 =	vld [tilespmem:s29+$0xA0]  }
0x127: {  	v2 =	vld [tilespmem:s29+$0x4020]  }
0x128: {  	v3 =	vld [tilespmem:s29+$0x40A0];
	_ =	sdelay $0x3  }
0x129: {  	v0 =	vmul.f32 v0, v2  }
0x12a: {  	v1 =	vmul.f32 v1, v3  }
0x12b: {  	[tilespmem:s29+$0x8020] =	vst v0  }
0x12c: {  	s4 =	sor.u32 $0x2100, s1;
	[tilespmem:s29+$0x80A0] =	vst v1  }
0x12d: {  	s7 =	sor.u32 $0x100, s1;
	v0 =	vld [tilespmem:s4+$0x2000]  }
0x12e: {  	v1 =	vld [tilespmem:s7+$0x0];
	_ =	sdelay $0x4  }
0x12f: {  	v0 =	vmul.f32 v1, v0;
	_ =	sdelay $0x1  }
0x130: {  	[tilespmem:s4+$0x6000] =	vst v0;
	s4 =	sor.u32 $0x2180, s1  }
0x131: {  	s1 =	sor.u32 $0x180, s1;
	v0 =	vld [tilespmem:s4+$0x2000]  }
0x132: {  	v1 =	vld [tilespmem:s1+$0x0];
	_ =	sdelay $0x4  }
0x133: {  	v0 =	vmul.f32 v1, v0;
	_ =	sdelay $0x1  }
0x134: {  	[tilespmem:s4+$0x6000] =	vst v0  }
0x135: {  	v2 =	vld [tilespmem:s29+$0x30]  }
0x136: {  	v0 =	vld [tilespmem:s29+$0xB0]  }
0x137: {  	v3 =	vld [tilespmem:s29+$0x4030]  }
.Ltmp6:
0x138: {  	v1 =	vld [tilespmem:s29+$0x40B0];
	(pc) =	sbr.rel @p1 .LBB2_9-.Ltmp6, $2  }
0x139: {  	_ =	sdelay $0x2  }
0x13a: {  	s31 =	sadd.s32 $0x40, s31;
	v2 =	vmul.f32 v2, v3  }
0x13b: {  	v0 =	vmul.f32 v0, v1  }
0x13c: {  	[tilespmem:s29+$0x8030] =	vst v2  }
0x13d: {  	s1 =	sor.u32 $0x2100, s0;
	[tilespmem:s29+$0x80B0] =	vst v0  }
0x13e: {  	s4 =	sor.u32 $0x100, s0;
	v0 =	vld [tilespmem:s1+$0x2000]  }
0x13f: {  	v62 =	vld [tilespmem:s4+$0x0];
	_ =	sdelay $0x4  }
0x140: {  	v0 =	vmul.f32 v62, v0;
	_ =	sdelay $0x1  }
0x141: {  	s29 =	sor.u32 $0x2180, s0;
	[tilespmem:s1+$0x6000] =	vst v0  }
0x142: {  	s30 =	sor.u32 $0x180, s0;
	v0 =	vld [tilespmem:s29+$0x2000]  }
0x143: {  	v63 =	vld [tilespmem:s30+$0x0];
	_ =	sdelay $0x2  }
0x144: {  	p0 =	seq.s32 s24, $0x1F  }
.Ltmp7:
0x145: {  	_ = 	snop;
	(pc) =	sbr.rel @p0 .LBB2_12-.Ltmp7, $3  }
0x146: {  	v0 =	vmul.f32 v63, v0;
	_ =	sdelay $0x1  }
0x147: {  	s31 =	sadd.s32 s26, s11;
	[tilespmem:s29+$0x6000] =	vst v0  }
0x148: {  	[hbm4b:s31+s13] =	stream.strided.scatter [tilespmem:s21], [sflag:$0x4], $0x2000, s14, s13, $0x38;
	[tilespmem:$0xA000] =	vst v63  }
.Ltmp8:
0x149: {  	(pc) =	sbr.rel .LBB2_2-.Ltmp8, $4  }
0x14a: {  	s0 =	sadd.s32 s10, s25  }
0x14b: {  	s0 =	sshrl.u32 s0, $0x3  }
0x14c: {  	s24 =	sadd.s32 $0x1, s24;
	s0 =	sadd.s32 s2, s0  }
0x14d: {  	[tilespmem:s17], [sflag:$0x2] =	stream.strided.gather [hbm4b:s0+s13], $0x2000, s14, s13, $0x38;
	[tilespmem:$0xA000] =	vst v63  }
.LBB2_13:
0x14e: {  	_ =	sfence.sel $0x180000  }
0x14f: {  	[bflag:$0x0] =	sbarrier.arrive $0xFFFF  }
0x150: {  	_ =	strace $0x90000047  }
0x151: {  	s0 =	stileid.u32;
	[bflag:$0x2] =	sbarrier.arrive $0xFFFF  }
0x152: {  	p0 =	sne.s32 s0, $0x0;
	s0 =	rddreg [dreg:$0x3]  }
0x153: {  	s0 =	sadd.s32 @!p0 $0x100000, s0  }
0x154: {  	[sflag:s0] =	ssyncadd.tile.s32 @!p0 $0x1;
	_ =	shalt  }
.Lfunc_end2:
_tile_overlayer_lowered:
.L_overlay_start_2:
0x155: {  	(tag) =	ssettag $0x2  }
0x156: {  	s0 =	rddreg [dreg:$0x0];
	s2 =	stileid.u32  }
0x157: {  	s1 =	rddreg [dreg:$0x1];
	p0 =	sne.s32 s2, $0x0  }
0x158: {  	s3 =	rddreg [dreg:$0x2];
	[bflag:$0x3] =	sbarrier.arrive $0xFFFF;
	s2 =	simm.s32 @!p0 $0x1C05  }
0x159: {  	[timem:s3], [sflag:s2] =	dma.local @!p0 [hbm:s0], s1  }
0x15a: {  	s0 =	simm.s32 @!p0 $0x5  }
0x15b: {  	_ =	swait.ge @!p0 [sflag:s0], s1  }
0x15c: {  	s1 =	ssub.s32 @!p0 $0x0, s1;
	[sflag:s0] =	ssyncset.done @!p0 $0x0  }
0x15d: {  	[sflag:s0] =	ssyncadd.s32 @!p0 s1  }
0x15e: {  	[bflag:$0x3] =	sbarrier.arrive $0xFFFF  }
0x15f: {  	_ =	shalt  }

</sc_bundles>
